<compile_context>
chip_gen: v7x
topology: tpu7x:2x2x1
jax: 0.10.2.dev20260603
libtpu: 0.0.44.dev20260713+nightly
codegen_flags: <defaults>
</compile_context>

<pallas_src>
import math

import jax
import jax.numpy as jnp
from jax.experimental import pallas as pl

_C = 81
_CM1 = _C - 1
_KP = 512
_DET = 100
_ST = 0.05
_NT = 0.5
_IH = 800.0
_IW = 1333.0
_XCLIP = math.log(1000.0 / 16.0)

_BLK = 1000
_G = 80


def _decode_softmax_kernel(l_ref, d0_ref, d1_ref, d2_ref, d3_ref, b_ref,
                           p_out, x1_out, y1_out, x2_out, y2_out):
    l = l_ref[...]
    m = jnp.max(l, axis=1, keepdims=True)
    e = jnp.exp(l - m)
    p_out[...] = e / jnp.sum(e, axis=1, keepdims=True)

    b = b_ref[...]
    w = b[:, 2:3] - b[:, 0:1]
    h = b[:, 3:4] - b[:, 1:2]
    cx = b[:, 0:1] + 0.5 * w
    cy = b[:, 1:2] + 0.5 * h
    dx = d0_ref[...] / 10.0
    dy = d1_ref[...] / 10.0
    dw = jnp.minimum(d2_ref[...] / 5.0, _XCLIP)
    dh = jnp.minimum(d3_ref[...] / 5.0, _XCLIP)
    pcx = dx * w + cx
    pcy = dy * h + cy
    pw = jnp.exp(dw) * w
    ph = jnp.exp(dh) * h
    x1_out[...] = jnp.clip(pcx - 0.5 * pw, 0.0, _IW)
    y1_out[...] = jnp.clip(pcy - 0.5 * ph, 0.0, _IH)
    x2_out[...] = jnp.clip(pcx + 0.5 * pw, 0.0, _IW)
    y2_out[...] = jnp.clip(pcy + 0.5 * ph, 0.0, _IH)


def _nms_kernel(x1_ref, y1_ref, x2_ref, y2_ref, s_ref, o_ref):
    x1 = x1_ref[...]
    y1 = y1_ref[...]
    x2 = x2_ref[...]
    y2 = y2_ref[...]
    s = s_ref[...]
    area = (x2 - x1) * (y2 - y1)
    lane = jax.lax.broadcasted_iota(jnp.int32, (1, _KP), 1)

    def _pick(i, v):
        return jnp.sum(jnp.where(lane == i, v, 0.0), axis=1, keepdims=True)

    def body(i, keep):
        x1i = _pick(i, x1)
        y1i = _pick(i, y1)
        x2i = _pick(i, x2)
        y2i = _pick(i, y2)
        keep_i = _pick(i, keep)
        area_i = (x2i - x1i) * (y2i - y1i)
        iw = jnp.clip(jnp.minimum(x2i, x2) - jnp.maximum(x1i, x1), 0.0)
        ih = jnp.clip(jnp.minimum(y2i, y2) - jnp.maximum(y1i, y1), 0.0)
        inter = iw * ih
        iou = inter / (area_i + area - inter + 1e-9)
        sup = jnp.where((iou > _NT) & (lane > i), 1.0, 0.0)
        return keep * (1.0 - keep_i * sup)

    keep = jax.lax.fori_loop(0, _KP, body, jnp.ones((_G, _KP), jnp.float32))
    o_ref[...] = jnp.where((keep > 0.5) & (s > _ST), s, -1.0)


def kernel(class_logits, box_regression, proposal_boxes):
    n = class_logits.shape[0]
    d = box_regression.reshape(n, _C, 4)

    bs = lambda: pl.BlockSpec((_BLK, _C), lambda i: (i, 0))
    probs, px1, py1, px2, py2 = pl.pallas_call(
        _decode_softmax_kernel,
        grid=(n // _BLK,),
        in_specs=[bs(), bs(), bs(), bs(), bs(),
                  pl.BlockSpec((_BLK, 4), lambda i: (i, 0))],
        out_specs=[bs(), bs(), bs(), bs(), bs()],
        out_shape=[jax.ShapeDtypeStruct((n, _C), jnp.float32)] * 5,
    )(class_logits, d[:, :, 0], d[:, :, 1], d[:, :, 2], d[:, :, 3],
      proposal_boxes)

    s_cn = probs[:, 1:].T
    sfilt = jnp.where(s_cn > _ST, s_cn, -1.0)
    nch = 4
    chl = n // nch
    cs, ci = jax.lax.top_k(sfilt.reshape(_CM1, nch, chl), _KP)
    gi = ci + (jnp.arange(nch, dtype=ci.dtype) * chl)[None, :, None]
    top_s, j = jax.lax.top_k(cs.reshape(_CM1, nch * _KP), _KP)
    idx = jnp.take_along_axis(gi.reshape(_CM1, nch * _KP), j, axis=1)
    x1g = jnp.take_along_axis(px1[:, 1:].T, idx, axis=1)
    y1g = jnp.take_along_axis(py1[:, 1:].T, idx, axis=1)
    x2g = jnp.take_along_axis(px2[:, 1:].T, idx, axis=1)
    y2g = jnp.take_along_axis(py2[:, 1:].T, idx, axis=1)

    gs = lambda: pl.BlockSpec((_G, _KP), lambda g: (g, 0))
    s_out = pl.pallas_call(
        _nms_kernel,
        grid=(_CM1 // _G,),
        in_specs=[gs(), gs(), gs(), gs(), gs()],
        out_specs=gs(),
        out_shape=jax.ShapeDtypeStruct((_CM1, _KP), jnp.float32),
    )(x1g, y1g, x2g, y2g, top_s)

    flat_s = s_out.reshape(-1)
    final_s, fi = jax.lax.top_k(flat_s, _DET)
    labels = fi // _KP + 1
    final_b = jnp.stack([x1g.reshape(-1)[fi], y1g.reshape(-1)[fi],
                         x2g.reshape(-1)[fi], y2g.reshape(-1)[fi]], axis=1)
    return final_b, final_s, labels

# --- scband reference (transcript-rebuilt; emitter-appended) ---
"""Pipeline reference for scband-base-box-post-processor-66228395704893 (READ-ONLY COPY).

The authoritative reference and input builder live on the scoring server;
editing this copy changes nothing except your own understanding.
"""

import jax, jax.numpy as jnp
import numpy as np

N = 20000
C = 81
K_PRE = 512
DET = 100
SCORE_THRESH = 0.05
NMS_THRESH = 0.5
IMG_H = 800.0
IMG_W = 1333.0
WX, WY, WW, WH = 10.0, 10.0, 5.0, 5.0
BBOX_XFORM_CLIP = float(np.log(1000.0 / 16.0))


def setup_inputs(seed: int = 0):
    key = jax.random.key(seed)
    k1, k2, k3 = jax.random.split(key, 3)
    class_logits = jax.random.normal(k1, (N, C), dtype=jnp.float32)
    box_regression = jax.random.normal(k2, (N, C * 4), dtype=jnp.float32) * 0.5
    b = jax.random.uniform(k3, (N, 4), dtype=jnp.float32)
    cx = b[:, 0] * IMG_W
    cy = b[:, 1] * IMG_H
    w = b[:, 2] * 200.0 + 8.0
    h = b[:, 3] * 200.0 + 8.0
    proposal_boxes = jnp.stack([cx - w / 2, cy - h / 2, cx + w / 2, cy + h / 2], axis=1)
    return {"class_logits": class_logits, "box_regression": box_regression, "proposal_boxes": proposal_boxes}


def _decode(deltas, boxes):
    # Box2BoxTransform.decode with weights (10, 10, 5, 5)
    widths = boxes[:, 2] - boxes[:, 0]
    heights = boxes[:, 3] - boxes[:, 1]
    ctr_x = boxes[:, 0] + 0.5 * widths
    ctr_y = boxes[:, 1] + 0.5 * heights
    d = deltas.reshape(deltas.shape[0], -1, 4)
    dx = d[..., 0] / WX
    dy = d[..., 1] / WY
    dw = jnp.minimum(d[..., 2] / WW, BBOX_XFORM_CLIP)
    dh = jnp.minimum(d[..., 3] / WH, BBOX_XFORM_CLIP)
    pcx = dx * widths[:, None] + ctr_x[:, None]
    pcy = dy * heights[:, None] + ctr_y[:, None]
    pw = jnp.exp(dw) * widths[:, None]
    ph = jnp.exp(dh) * heights[:, None]
    return jnp.stack([pcx - 0.5 * pw, pcy - 0.5 * ph, pcx + 0.5 * pw, pcy + 0.5 * ph], axis=-1)


def _clip(boxes):
    x1 = jnp.clip(boxes[..., 0], 0.0, IMG_W)
    y1 = jnp.clip(boxes[..., 1], 0.0, IMG_H)
    x2 = jnp.clip(boxes[..., 2], 0.0, IMG_W)
    y2 = jnp.clip(boxes[..., 3], 0.0, IMG_H)
    return jnp.stack([x1, y1, x2, y2], axis=-1)


def _pairwise_iou(b):
    area = (b[:, 2] - b[:, 0]) * (b[:, 3] - b[:, 1])
    lt = jnp.maximum(b[:, None, :2], b[None, :, :2])
    rb = jnp.minimum(b[:, None, 2:], b[None, :, 2:])
    wh = jnp.clip(rb - lt, 0.0)
    inter = wh[..., 0] * wh[..., 1]
    return inter / (area[:, None] + area[None, :] - inter + 1e-9)


def _nms_keep(iou):
    K = iou.shape[0]
    idxs = jnp.arange(K)

    def body(keep, i):
        sup = (iou[i] > NMS_THRESH) & (idxs > i)
        keep = jnp.where(keep[i], keep & (~sup), keep)
        return keep, None

    keep, _ = jax.lax.scan(body, jnp.ones((K,), dtype=bool), idxs)
    return keep


def _per_class(scores_j, boxes_j):
    s = jnp.where(scores_j > SCORE_THRESH, scores_j, -1.0)
    top_s, idx = jax.lax.top_k(s, K_PRE)
    cb = boxes_j[idx]
    iou = _pairwise_iou(jax.lax.stop_gradient(cb))
    keep = _nms_keep(iou)
    valid = keep & (top_s > SCORE_THRESH)
    return jnp.where(valid, top_s, -1.0), cb


def reference(class_logits, box_regression, proposal_boxes):
    probs = jax.nn.softmax(class_logits, axis=-1)
    pred = _decode(box_regression, proposal_boxes)  # [N, C, 4]
    pred = _clip(pred)
    cls_scores = probs[:, 1:].T  # [C-1, N] (skip background class 0)
    cls_boxes = jnp.transpose(pred[:, 1:, :], (1, 0, 2))  # [C-1, N, 4]
    all_s, all_b = jax.vmap(_per_class)(cls_scores, cls_boxes)  # [C-1, K_PRE], [C-1, K_PRE, 4]
    flat_s = all_s.reshape(-1)
    flat_b = all_b.reshape(-1, 4)
    final_s, fi = jax.lax.top_k(flat_s, DET)
    final_b = flat_b[fi]
    labels = fi // K_PRE + 1
    return final_b, final_s, labels

if __name__ == "__main__":
    import jax
    _d = setup_inputs()
    print(jax.jit(kernel)(*tuple(_d.values())))

</pallas_src>

<mosaic_0001>
module attributes {stable_mosaic.version = 14 : i64} {
  func.func @_decode_softmax_kernel(%arg0: i32, %arg1: memref<1000x81xf32, #tpu.memory_space<vmem>>, %arg2: memref<1000x81xf32, #tpu.memory_space<vmem>>, %arg3: memref<1000x81xf32, #tpu.memory_space<vmem>>, %arg4: memref<1000x81xf32, #tpu.memory_space<vmem>>, %arg5: memref<1000x81xf32, #tpu.memory_space<vmem>>, %arg6: memref<1000x4xf32, #tpu.memory_space<vmem>>, %arg7: memref<1000x81xf32, #tpu.memory_space<vmem>>, %arg8: memref<1000x81xf32, #tpu.memory_space<vmem>>, %arg9: memref<1000x81xf32, #tpu.memory_space<vmem>>, %arg10: memref<1000x81xf32, #tpu.memory_space<vmem>>, %arg11: memref<1000x81xf32, #tpu.memory_space<vmem>>) attributes {dimension_semantics = [#tpu.dimension_semantics<arbitrary>], iteration_bounds = array<i64: 20>, scalar_prefetch = 0 : i64, scratch_operands = 0 : i64, tpu.core_type = #tpu.core_type<tc>, window_params = [{transform_indices = @transform_0, window_bounds = array<i64: 1000, 81>}, {transform_indices = @transform_1, window_bounds = array<i64: 1000, 81>}, {transform_indices = @transform_2, window_bounds = array<i64: 1000, 81>}, {transform_indices = @transform_3, window_bounds = array<i64: 1000, 81>}, {transform_indices = @transform_4, window_bounds = array<i64: 1000, 81>}, {transform_indices = @transform_5, window_bounds = array<i64: 1000, 4>}, {transform_indices = @transform_6, window_bounds = array<i64: 1000, 81>}, {transform_indices = @transform_7, window_bounds = array<i64: 1000, 81>}, {transform_indices = @transform_8, window_bounds = array<i64: 1000, 81>}, {transform_indices = @transform_9, window_bounds = array<i64: 1000, 81>}, {transform_indices = @transform_10, window_bounds = array<i64: 1000, 81>}]} {
    %get3A = arith.constant 0 : index
    %get3A_0 = arith.constant 0 : index
    %get3A_1 = vector.load %arg1[%get3A, %get3A_0] : memref<1000x81xf32, #tpu.memory_space<vmem>>, vector<1000x81xf32>
    %reduce_max3A = arith.constant dense<0xFF800000> : vector<1000xf32>
    %reduce_max3A_2 = vector.multi_reduction <maximumf>, %get3A_1, %reduce_max3A [1] : vector<1000x81xf32> to vector<1000xf32>
    %broadcast_in_dim3A = vector.shape_cast %reduce_max3A_2 : vector<1000xf32> to vector<1000x1xf32>
    %sub3A = vector.broadcast %broadcast_in_dim3A : vector<1000x1xf32> to vector<1000x81xf32>
    %sub3A_3 = arith.subf %get3A_1, %sub3A : vector<1000x81xf32>
    %exp3A = math.exp %sub3A_3 : vector<1000x81xf32>
    %reduce_sum3A = arith.constant dense<0.000000e+00> : vector<1000xf32>
    %reduce_sum3A_4 = vector.multi_reduction <add>, %exp3A, %reduce_sum3A [1] : vector<1000x81xf32> to vector<1000xf32>
    %broadcast_in_dim3A_5 = vector.shape_cast %reduce_sum3A_4 : vector<1000xf32> to vector<1000x1xf32>
    %div3A = vector.broadcast %broadcast_in_dim3A_5 : vector<1000x1xf32> to vector<1000x81xf32>
    %div3A_6 = arith.divf %exp3A, %div3A : vector<1000x81xf32>
    %swap3A = arith.constant 0 : index
    %swap3A_7 = arith.constant 0 : index
    %swap3A_8 = vector.load %arg7[%swap3A, %swap3A_7] : memref<1000x81xf32, #tpu.memory_space<vmem>>, vector<1000x81xf32>
    tpu.vector_store %arg7[%swap3A, %swap3A_7], %div3A_6 {strides = array<i32>} : memref<1000x81xf32, #tpu.memory_space<vmem>>, vector<1000x81xf32>,
    %get3A_9 = arith.constant 0 : index
    %get3A_10 = arith.constant 0 : index
    %get3A_11 = vector.load %arg6[%get3A_9, %get3A_10] : memref<1000x4xf32, #tpu.memory_space<vmem>>, vector<1000x4xf32>
    %slice3A = vector.extract_strided_slice %get3A_11 {offsets = [0, 2], sizes = [1000, 1], strides = [1, 1]} : vector<1000x4xf32> to vector<1000x1xf32>
    %slice3A_12 = vector.extract_strided_slice %get3A_11 {offsets = [0, 0], sizes = [1000, 1], strides = [1, 1]} : vector<1000x4xf32> to vector<1000x1xf32>
    %sub3A_13 = arith.subf %slice3A, %slice3A_12 : vector<1000x1xf32>
    %slice3A_14 = vector.extract_strided_slice %get3A_11 {offsets = [0, 3], sizes = [1000, 1], strides = [1, 1]} : vector<1000x4xf32> to vector<1000x1xf32>
    %slice3A_15 = vector.extract_strided_slice %get3A_11 {offsets = [0, 1], sizes = [1000, 1], strides = [1, 1]} : vector<1000x4xf32> to vector<1000x1xf32>
    %sub3A_16 = arith.subf %slice3A_14, %slice3A_15 : vector<1000x1xf32>
    %slice3A_17 = vector.extract_strided_slice %get3A_11 {offsets = [0, 0], sizes = [1000, 1], strides = [1, 1]} : vector<1000x4xf32> to vector<1000x1xf32>
    %mul3A = arith.constant 5.000000e-01 : f32
    %mul3A_18 = vector.broadcast %mul3A : f32 to vector<1000x1xf32>
    %mul3A_19 = arith.mulf %mul3A_18, %sub3A_13 : vector<1000x1xf32>
    %add3A = arith.addf %slice3A_17, %mul3A_19 : vector<1000x1xf32>
    %slice3A_20 = vector.extract_strided_slice %get3A_11 {offsets = [0, 1], sizes = [1000, 1], strides = [1, 1]} : vector<1000x4xf32> to vector<1000x1xf32>
    %mul3A_21 = arith.constant 5.000000e-01 : f32
    %mul3A_22 = vector.broadcast %mul3A_21 : f32 to vector<1000x1xf32>
    %mul3A_23 = arith.mulf %mul3A_22, %sub3A_16 : vector<1000x1xf32>
    %add3A_24 = arith.addf %slice3A_20, %mul3A_23 : vector<1000x1xf32>
    %get3A_25 = arith.constant 0 : index
    %get3A_26 = arith.constant 0 : index
    %get3A_27 = vector.load %arg2[%get3A_25, %get3A_26] : memref<1000x81xf32, #tpu.memory_space<vmem>>, vector<1000x81xf32>
    %div3A_28 = arith.constant 1.000000e+01 : f32
    %div3A_29 = vector.broadcast %div3A_28 : f32 to vector<1000x81xf32>
    %div3A_30 = arith.divf %get3A_27, %div3A_29 : vector<1000x81xf32>
    %get3A_31 = arith.constant 0 : index
    %get3A_32 = arith.constant 0 : index
    %get3A_33 = vector.load %arg3[%get3A_31, %get3A_32] : memref<1000x81xf32, #tpu.memory_space<vmem>>, vector<1000x81xf32>
    %div3A_34 = arith.constant 1.000000e+01 : f32
    %div3A_35 = vector.broadcast %div3A_34 : f32 to vector<1000x81xf32>
    %div3A_36 = arith.divf %get3A_33, %div3A_35 : vector<1000x81xf32>
    %get3A_37 = arith.constant 0 : index
    %get3A_38 = arith.constant 0 : index
    %get3A_39 = vector.load %arg4[%get3A_37, %get3A_38] : memref<1000x81xf32, #tpu.memory_space<vmem>>, vector<1000x81xf32>
    %div3A_40 = arith.constant 5.000000e+00 : f32
    %div3A_41 = vector.broadcast %div3A_40 : f32 to vector<1000x81xf32>
    %div3A_42 = arith.divf %get3A_39, %div3A_41 : vector<1000x81xf32>
    %min3A = arith.constant 4.13516665 : f32
    %min3A_43 = vector.broadcast %min3A : f32 to vector<1000x81xf32>
    %min3A_44 = arith.minimumf %div3A_42, %min3A_43 : vector<1000x81xf32>
    %get3A_45 = arith.constant 0 : index
    %get3A_46 = arith.constant 0 : index
    %get3A_47 = vector.load %arg5[%get3A_45, %get3A_46] : memref<1000x81xf32, #tpu.memory_space<vmem>>, vector<1000x81xf32>
    %div3A_48 = arith.constant 5.000000e+00 : f32
    %div3A_49 = vector.broadcast %div3A_48 : f32 to vector<1000x81xf32>
    %div3A_50 = arith.divf %get3A_47, %div3A_49 : vector<1000x81xf32>
    %min3A_51 = arith.constant 4.13516665 : f32
    %min3A_52 = vector.broadcast %min3A_51 : f32 to vector<1000x81xf32>
    %min3A_53 = arith.minimumf %div3A_50, %min3A_52 : vector<1000x81xf32>
    %mul3A_54 = vector.broadcast %sub3A_13 : vector<1000x1xf32> to vector<1000x81xf32>
    %mul3A_55 = arith.mulf %div3A_30, %mul3A_54 : vector<1000x81xf32>
    %add3A_56 = vector.broadcast %add3A : vector<1000x1xf32> to vector<1000x81xf32>
    %add3A_57 = arith.addf %mul3A_55, %add3A_56 : vector<1000x81xf32>
    %mul3A_58 = vector.broadcast %sub3A_16 : vector<1000x1xf32> to vector<1000x81xf32>
    %mul3A_59 = arith.mulf %div3A_36, %mul3A_58 : vector<1000x81xf32>
    %add3A_60 = vector.broadcast %add3A_24 : vector<1000x1xf32> to vector<1000x81xf32>
    %add3A_61 = arith.addf %mul3A_59, %add3A_60 : vector<1000x81xf32>
    %exp3A_62 = math.exp %min3A_44 : vector<1000x81xf32>
    %mul3A_63 = vector.broadcast %sub3A_13 : vector<1000x1xf32> to vector<1000x81xf32>
    %mul3A_64 = arith.mulf %exp3A_62, %mul3A_63 : vector<1000x81xf32>
    %exp3A_65 = math.exp %min3A_53 : vector<1000x81xf32>
    %mul3A_66 = vector.broadcast %sub3A_16 : vector<1000x1xf32> to vector<1000x81xf32>
    %mul3A_67 = arith.mulf %exp3A_65, %mul3A_66 : vector<1000x81xf32>
    %mul3A_68 = arith.constant 5.000000e-01 : f32
    %mul3A_69 = vector.broadcast %mul3A_68 : f32 to vector<1000x81xf32>
    %mul3A_70 = arith.mulf %mul3A_69, %mul3A_64 : vector<1000x81xf32>
    %sub3A_71 = arith.subf %add3A_57, %mul3A_70 : vector<1000x81xf32>
    %jit3A = arith.constant 0.000000e+00 : f32
    %jit3A_72 = arith.constant 1.333000e+03 : f32
    %max3A = vector.broadcast %jit3A : f32 to vector<1000x81xf32>
    %max3A_73 = arith.maximumf %max3A, %sub3A_71 : vector<1000x81xf32>
    %min3A_74 = vector.broadcast %jit3A_72 : f32 to vector<1000x81xf32>
    %min3A_75 = arith.minimumf %min3A_74, %max3A_73 : vector<1000x81xf32>
    %swap3A_76 = arith.constant 0 : index
    %swap3A_77 = arith.constant 0 : index
    %swap3A_78 = vector.load %arg8[%swap3A_76, %swap3A_77] : memref<1000x81xf32, #tpu.memory_space<vmem>>, vector<1000x81xf32>
    tpu.vector_store %arg8[%swap3A_76, %swap3A_77], %min3A_75 {strides = array<i32>} : memref<1000x81xf32, #tpu.memory_space<vmem>>, vector<1000x81xf32>,
    %mul3A_79 = arith.constant 5.000000e-01 : f32
    %mul3A_80 = vector.broadcast %mul3A_79 : f32 to vector<1000x81xf32>
    %mul3A_81 = arith.mulf %mul3A_80, %mul3A_67 : vector<1000x81xf32>
    %sub3A_82 = arith.subf %add3A_61, %mul3A_81 : vector<1000x81xf32>
    %jit3A_83 = arith.constant 0.000000e+00 : f32
    %jit3A_84 = arith.constant 8.000000e+02 : f32
    %max3A_85 = vector.broadcast %jit3A_83 : f32 to vector<1000x81xf32>
    %max3A_86 = arith.maximumf %max3A_85, %sub3A_82 : vector<1000x81xf32>
    %min3A_87 = vector.broadcast %jit3A_84 : f32 to vector<1000x81xf32>
    %min3A_88 = arith.minimumf %min3A_87, %max3A_86 : vector<1000x81xf32>
    %swap3A_89 = arith.constant 0 : index
    %swap3A_90 = arith.constant 0 : index
    %swap3A_91 = vector.load %arg9[%swap3A_89, %swap3A_90] : memref<1000x81xf32, #tpu.memory_space<vmem>>, vector<1000x81xf32>
    tpu.vector_store %arg9[%swap3A_89, %swap3A_90], %min3A_88 {strides = array<i32>} : memref<1000x81xf32, #tpu.memory_space<vmem>>, vector<1000x81xf32>,
    %mul3A_92 = arith.constant 5.000000e-01 : f32
    %mul3A_93 = vector.broadcast %mul3A_92 : f32 to vector<1000x81xf32>
    %mul3A_94 = arith.mulf %mul3A_93, %mul3A_64 : vector<1000x81xf32>
    %add3A_95 = arith.addf %add3A_57, %mul3A_94 : vector<1000x81xf32>
    %jit3A_96 = arith.constant 0.000000e+00 : f32
    %jit3A_97 = arith.constant 1.333000e+03 : f32
    %max3A_98 = vector.broadcast %jit3A_96 : f32 to vector<1000x81xf32>
    %max3A_99 = arith.maximumf %max3A_98, %add3A_95 : vector<1000x81xf32>
    %min3A_100 = vector.broadcast %jit3A_97 : f32 to vector<1000x81xf32>
    %min3A_101 = arith.minimumf %min3A_100, %max3A_99 : vector<1000x81xf32>
    %swap3A_102 = arith.constant 0 : index
    %swap3A_103 = arith.constant 0 : index
    %swap3A_104 = vector.load %arg10[%swap3A_102, %swap3A_103] : memref<1000x81xf32, #tpu.memory_space<vmem>>, vector<1000x81xf32>
    tpu.vector_store %arg10[%swap3A_102, %swap3A_103], %min3A_101 {strides = array<i32>} : memref<1000x81xf32, #tpu.memory_space<vmem>>, vector<1000x81xf32>,
    %mul3A_105 = arith.constant 5.000000e-01 : f32
    %mul3A_106 = vector.broadcast %mul3A_105 : f32 to vector<1000x81xf32>
    %mul3A_107 = arith.mulf %mul3A_106, %mul3A_67 : vector<1000x81xf32>
    %add3A_108 = arith.addf %add3A_61, %mul3A_107 : vector<1000x81xf32>
    %jit3A_109 = arith.constant 0.000000e+00 : f32
    %jit3A_110 = arith.constant 8.000000e+02 : f32
    %max3A_111 = vector.broadcast %jit3A_109 : f32 to vector<1000x81xf32>
    %max3A_112 = arith.maximumf %max3A_111, %add3A_108 : vector<1000x81xf32>
    %min3A_113 = vector.broadcast %jit3A_110 : f32 to vector<1000x81xf32>
    %min3A_114 = arith.minimumf %min3A_113, %max3A_112 : vector<1000x81xf32>
    %swap3A_115 = arith.constant 0 : index
    %swap3A_116 = arith.constant 0 : index
    %swap3A_117 = vector.load %arg11[%swap3A_115, %swap3A_116] : memref<1000x81xf32, #tpu.memory_space<vmem>>, vector<1000x81xf32>
    tpu.vector_store %arg11[%swap3A_115, %swap3A_116], %min3A_114 {strides = array<i32>} : memref<1000x81xf32, #tpu.memory_space<vmem>>, vector<1000x81xf32>,
    return
  }
  func.func @transform_0(%arg0: i32) -> (i32, i32) {
    %c0_i32 = arith.constant 0 : i32
    %c0_i32_0 = arith.constant 0 : i32
    return %arg0, %c0_i32 : i32, i32
  }
  func.func @transform_1(%arg0: i32) -> (i32, i32) {
    %c0_i32 = arith.constant 0 : i32
    %c0_i32_0 = arith.constant 0 : i32
    return %arg0, %c0_i32 : i32, i32
  }
  func.func @transform_2(%arg0: i32) -> (i32, i32) {
    %c0_i32 = arith.constant 0 : i32
    %c0_i32_0 = arith.constant 0 : i32
    return %arg0, %c0_i32 : i32, i32
  }
  func.func @transform_3(%arg0: i32) -> (i32, i32) {
    %c0_i32 = arith.constant 0 : i32
    %c0_i32_0 = arith.constant 0 : i32
    return %arg0, %c0_i32 : i32, i32
  }
  func.func @transform_4(%arg0: i32) -> (i32, i32) {
    %c0_i32 = arith.constant 0 : i32
    %c0_i32_0 = arith.constant 0 : i32
    return %arg0, %c0_i32 : i32, i32
  }
  func.func @transform_5(%arg0: i32) -> (i32, i32) {
    %c0_i32 = arith.constant 0 : i32
    %c0_i32_0 = arith.constant 0 : i32
    return %arg0, %c0_i32 : i32, i32
  }
  func.func @transform_6(%arg0: i32) -> (i32, i32) {
    %c0_i32 = arith.constant 0 : i32
    %c0_i32_0 = arith.constant 0 : i32
    return %arg0, %c0_i32 : i32, i32
  }
  func.func @transform_7(%arg0: i32) -> (i32, i32) {
    %c0_i32 = arith.constant 0 : i32
    %c0_i32_0 = arith.constant 0 : i32
    return %arg0, %c0_i32 : i32, i32
  }
  func.func @transform_8(%arg0: i32) -> (i32, i32) {
    %c0_i32 = arith.constant 0 : i32
    %c0_i32_0 = arith.constant 0 : i32
    return %arg0, %c0_i32 : i32, i32
  }
  func.func @transform_9(%arg0: i32) -> (i32, i32) {
    %c0_i32 = arith.constant 0 : i32
    %c0_i32_0 = arith.constant 0 : i32
    return %arg0, %c0_i32 : i32, i32
  }
  func.func @transform_10(%arg0: i32) -> (i32, i32) {
    %c0_i32 = arith.constant 0 : i32
    %c0_i32_0 = arith.constant 0 : i32
    return %arg0, %c0_i32 : i32, i32
  }
}

module attributes {stable_mosaic.version = 14 : i64} {
  func.func @_nms_kernel(%arg0: i32, %arg1: memref<80x512xf32, #tpu.memory_space<vmem>>, %arg2: memref<80x512xf32, #tpu.memory_space<vmem>>, %arg3: memref<80x512xf32, #tpu.memory_space<vmem>>, %arg4: memref<80x512xf32, #tpu.memory_space<vmem>>, %arg5: memref<80x512xf32, #tpu.memory_space<vmem>>, %arg6: memref<80x512xf32, #tpu.memory_space<vmem>>) attributes {dimension_semantics = [#tpu.dimension_semantics<arbitrary>], iteration_bounds = array<i64: 1>, scalar_prefetch = 0 : i64, scratch_operands = 0 : i64, tpu.core_type = #tpu.core_type<tc>, window_params = [{transform_indices = @transform_0, window_bounds = array<i64: 80, 512>}, {transform_indices = @transform_1, window_bounds = array<i64: 80, 512>}, {transform_indices = @transform_2, window_bounds = array<i64: 80, 512>}, {transform_indices = @transform_3, window_bounds = array<i64: 80, 512>}, {transform_indices = @transform_4, window_bounds = array<i64: 80, 512>}, {transform_indices = @transform_5, window_bounds = array<i64: 80, 512>}]} {
    %get3A = arith.constant 0 : index
    %get3A_0 = arith.constant 0 : index
    %get3A_1 = vector.load %arg1[%get3A, %get3A_0] : memref<80x512xf32, #tpu.memory_space<vmem>>, vector<80x512xf32>
    %get3A_2 = arith.constant 0 : index
    %get3A_3 = arith.constant 0 : index
    %get3A_4 = vector.load %arg2[%get3A_2, %get3A_3] : memref<80x512xf32, #tpu.memory_space<vmem>>, vector<80x512xf32>
    %get3A_5 = arith.constant 0 : index
    %get3A_6 = arith.constant 0 : index
    %get3A_7 = vector.load %arg3[%get3A_5, %get3A_6] : memref<80x512xf32, #tpu.memory_space<vmem>>, vector<80x512xf32>
    %get3A_8 = arith.constant 0 : index
    %get3A_9 = arith.constant 0 : index
    %get3A_10 = vector.load %arg4[%get3A_8, %get3A_9] : memref<80x512xf32, #tpu.memory_space<vmem>>, vector<80x512xf32>
    %get3A_11 = arith.constant 0 : index
    %get3A_12 = arith.constant 0 : index
    %get3A_13 = vector.load %arg5[%get3A_11, %get3A_12] : memref<80x512xf32, #tpu.memory_space<vmem>>, vector<80x512xf32>
    %sub3A = arith.subf %get3A_7, %get3A_1 : vector<80x512xf32>
    %sub3A_14 = arith.subf %get3A_10, %get3A_4 : vector<80x512xf32>
    %mul3A = arith.mulf %sub3A, %sub3A_14 : vector<80x512xf32>
    %iota3A = tpu.iota {dimensions = array<i32: 1>} : vector<1x512xi32>
    %broadcast_in_dim3A = arith.constant 1.000000e+00 : f32
    %broadcast_in_dim3A_15 = vector.broadcast %broadcast_in_dim3A : f32 to vector<80x512xf32>
    %scan3A = arith.constant 0 : i32
    %scan3A_16 = arith.constant 512 : i32
    %scan3A_17 = arith.addi %scan3A, %scan3A_16 : i32
    %scan3A_18 = arith.constant 1 : i32
    %scan3A_19 = scf.for %scan3A_29 = %scan3A to %scan3A_17 step %scan3A_18 iter_args(%scan3A_30 = %broadcast_in_dim3A_15) -> (vector<80x512xf32>)  : i32 {
      %eq3A = vector.broadcast %scan3A_29 : i32 to vector<1x512xi32>
      %eq3A_31 = arith.cmpi eq, %iota3A, %eq3A : vector<1x512xi32>
      %jit3A_32 = arith.constant 0.000000e+00 : f32
      %broadcast_in_dim3A_33 = vector.shape_cast %eq3A_31 : vector<1x512xi1> to vector<1x512xi1>
      %broadcast_in_dim3A_34 = vector.broadcast %broadcast_in_dim3A_33 : vector<1x512xi1> to vector<80x512xi1>
      %broadcast_in_dim3A_35 = vector.broadcast %jit3A_32 : f32 to vector<80x512xf32>
      %select_n3A_36 = arith.select %broadcast_in_dim3A_34, %get3A_1, %broadcast_in_dim3A_35 : vector<80x512xi1>, vector<80x512xf32>
      %reduce_sum3A = arith.constant dense<0.000000e+00> : vector<80xf32>
      %reduce_sum3A_37 = vector.multi_reduction <add>, %select_n3A_36, %reduce_sum3A [1] : vector<80x512xf32> to vector<80xf32>
      %broadcast_in_dim3A_38 = vector.shape_cast %reduce_sum3A_37 : vector<80xf32> to vector<80x1xf32>
      %eq3A_39 = vector.broadcast %scan3A_29 : i32 to vector<1x512xi32>
      %eq3A_40 = arith.cmpi eq, %iota3A, %eq3A_39 : vector<1x512xi32>
      %jit3A_41 = arith.constant 0.000000e+00 : f32
      %broadcast_in_dim3A_42 = vector.shape_cast %eq3A_40 : vector<1x512xi1> to vector<1x512xi1>
      %broadcast_in_dim3A_43 = vector.broadcast %broadcast_in_dim3A_42 : vector<1x512xi1> to vector<80x512xi1>
      %broadcast_in_dim3A_44 = vector.broadcast %jit3A_41 : f32 to vector<80x512xf32>
      %select_n3A_45 = arith.select %broadcast_in_dim3A_43, %get3A_4, %broadcast_in_dim3A_44 : vector<80x512xi1>, vector<80x512xf32>
      %reduce_sum3A_46 = arith.constant dense<0.000000e+00> : vector<80xf32>
      %reduce_sum3A_47 = vector.multi_reduction <add>, %select_n3A_45, %reduce_sum3A_46 [1] : vector<80x512xf32> to vector<80xf32>
      %broadcast_in_dim3A_48 = vector.shape_cast %reduce_sum3A_47 : vector<80xf32> to vector<80x1xf32>
      %eq3A_49 = vector.broadcast %scan3A_29 : i32 to vector<1x512xi32>
      %eq3A_50 = arith.cmpi eq, %iota3A, %eq3A_49 : vector<1x512xi32>
      %jit3A_51 = arith.constant 0.000000e+00 : f32
      %broadcast_in_dim3A_52 = vector.shape_cast %eq3A_50 : vector<1x512xi1> to vector<1x512xi1>
      %broadcast_in_dim3A_53 = vector.broadcast %broadcast_in_dim3A_52 : vector<1x512xi1> to vector<80x512xi1>
      %broadcast_in_dim3A_54 = vector.broadcast %jit3A_51 : f32 to vector<80x512xf32>
      %select_n3A_55 = arith.select %broadcast_in_dim3A_53, %get3A_7, %broadcast_in_dim3A_54 : vector<80x512xi1>, vector<80x512xf32>
      %reduce_sum3A_56 = arith.constant dense<0.000000e+00> : vector<80xf32>
      %reduce_sum3A_57 = vector.multi_reduction <add>, %select_n3A_55, %reduce_sum3A_56 [1] : vector<80x512xf32> to vector<80xf32>
      %broadcast_in_dim3A_58 = vector.shape_cast %reduce_sum3A_57 : vector<80xf32> to vector<80x1xf32>
      %eq3A_59 = vector.broadcast %scan3A_29 : i32 to vector<1x512xi32>
      %eq3A_60 = arith.cmpi eq, %iota3A, %eq3A_59 : vector<1x512xi32>
      %jit3A_61 = arith.constant 0.000000e+00 : f32
      %broadcast_in_dim3A_62 = vector.shape_cast %eq3A_60 : vector<1x512xi1> to vector<1x512xi1>
      %broadcast_in_dim3A_63 = vector.broadcast %broadcast_in_dim3A_62 : vector<1x512xi1> to vector<80x512xi1>
      %broadcast_in_dim3A_64 = vector.broadcast %jit3A_61 : f32 to vector<80x512xf32>
      %select_n3A_65 = arith.select %broadcast_in_dim3A_63, %get3A_10, %broadcast_in_dim3A_64 : vector<80x512xi1>, vector<80x512xf32>
      %reduce_sum3A_66 = arith.constant dense<0.000000e+00> : vector<80xf32>
      %reduce_sum3A_67 = vector.multi_reduction <add>, %select_n3A_65, %reduce_sum3A_66 [1] : vector<80x512xf32> to vector<80xf32>
      %broadcast_in_dim3A_68 = vector.shape_cast %reduce_sum3A_67 : vector<80xf32> to vector<80x1xf32>
      %eq3A_69 = vector.broadcast %scan3A_29 : i32 to vector<1x512xi32>
      %eq3A_70 = arith.cmpi eq, %iota3A, %eq3A_69 : vector<1x512xi32>
      %jit3A_71 = arith.constant 0.000000e+00 : f32
      %broadcast_in_dim3A_72 = vector.shape_cast %eq3A_70 : vector<1x512xi1> to vector<1x512xi1>
      %broadcast_in_dim3A_73 = vector.broadcast %broadcast_in_dim3A_72 : vector<1x512xi1> to vector<80x512xi1>
      %broadcast_in_dim3A_74 = vector.broadcast %jit3A_71 : f32 to vector<80x512xf32>
      %select_n3A_75 = arith.select %broadcast_in_dim3A_73, %scan3A_30, %broadcast_in_dim3A_74 : vector<80x512xi1>, vector<80x512xf32>
      %reduce_sum3A_76 = arith.constant dense<0.000000e+00> : vector<80xf32>
      %reduce_sum3A_77 = vector.multi_reduction <add>, %select_n3A_75, %reduce_sum3A_76 [1] : vector<80x512xf32> to vector<80xf32>
      %broadcast_in_dim3A_78 = vector.shape_cast %reduce_sum3A_77 : vector<80xf32> to vector<80x1xf32>
      %sub3A_79 = arith.subf %broadcast_in_dim3A_58, %broadcast_in_dim3A_38 : vector<80x1xf32>
      %sub3A_80 = arith.subf %broadcast_in_dim3A_68, %broadcast_in_dim3A_48 : vector<80x1xf32>
      %mul3A_81 = arith.mulf %sub3A_79, %sub3A_80 : vector<80x1xf32>
      %min3A = vector.broadcast %broadcast_in_dim3A_58 : vector<80x1xf32> to vector<80x512xf32>
      %min3A_82 = arith.minimumf %min3A, %get3A_7 : vector<80x512xf32>
      %max3A = vector.broadcast %broadcast_in_dim3A_38 : vector<80x1xf32> to vector<80x512xf32>
      %max3A_83 = arith.maximumf %max3A, %get3A_1 : vector<80x512xf32>
      %sub3A_84 = arith.subf %min3A_82, %max3A_83 : vector<80x512xf32>
      %jit3A_85 = arith.constant 0.000000e+00 : f32
      %max3A_86 = vector.broadcast %jit3A_85 : f32 to vector<80x512xf32>
      %max3A_87 = arith.maximumf %max3A_86, %sub3A_84 : vector<80x512xf32>
      %min3A_88 = vector.broadcast %broadcast_in_dim3A_68 : vector<80x1xf32> to vector<80x512xf32>
      %min3A_89 = arith.minimumf %min3A_88, %get3A_10 : vector<80x512xf32>
      %max3A_90 = vector.broadcast %broadcast_in_dim3A_48 : vector<80x1xf32> to vector<80x512xf32>
      %max3A_91 = arith.maximumf %max3A_90, %get3A_4 : vector<80x512xf32>
      %sub3A_92 = arith.subf %min3A_89, %max3A_91 : vector<80x512xf32>
      %jit3A_93 = arith.constant 0.000000e+00 : f32
      %max3A_94 = vector.broadcast %jit3A_93 : f32 to vector<80x512xf32>
      %max3A_95 = arith.maximumf %max3A_94, %sub3A_92 : vector<80x512xf32>
      %mul3A_96 = arith.mulf %max3A_87, %max3A_95 : vector<80x512xf32>
      %add3A = vector.broadcast %mul3A_81 : vector<80x1xf32> to vector<80x512xf32>
      %add3A_97 = arith.addf %add3A, %mul3A : vector<80x512xf32>
      %sub3A_98 = arith.subf %add3A_97, %mul3A_96 : vector<80x512xf32>
      %add3A_99 = arith.constant 9.99999971E-10 : f32
      %add3A_100 = vector.broadcast %add3A_99 : f32 to vector<80x512xf32>
      %add3A_101 = arith.addf %sub3A_98, %add3A_100 : vector<80x512xf32>
      %div3A = arith.divf %mul3A_96, %add3A_101 : vector<80x512xf32>
      %gt3A_102 = arith.constant 5.000000e-01 : f32
      %gt3A_103 = vector.broadcast %gt3A_102 : f32 to vector<80x512xf32>
      %gt3A_104 = arith.cmpf ogt, %div3A, %gt3A_103 : vector<80x512xf32>
      %gt3A_105 = vector.broadcast %scan3A_29 : i32 to vector<1x512xi32>
      %gt3A_106 = arith.cmpi sgt, %iota3A, %gt3A_105 : vector<1x512xi32>
      %and3A_107 = vector.broadcast %gt3A_106 : vector<1x512xi1> to vector<80x512xi1>
      %and3A_108 = arith.andi %gt3A_104, %and3A_107 : vector<80x512xi1>
      %jit3A_109 = arith.constant 1.000000e+00 : f32
      %jit3A_110 = arith.constant 0.000000e+00 : f32
      %broadcast_in_dim3A_111 = vector.broadcast %jit3A_109 : f32 to vector<80x512xf32>
      %broadcast_in_dim3A_112 = vector.broadcast %jit3A_110 : f32 to vector<80x512xf32>
      %select_n3A_113 = arith.select %and3A_108, %broadcast_in_dim3A_111, %broadcast_in_dim3A_112 : vector<80x512xi1>, vector<80x512xf32>
      %mul3A_114 = vector.broadcast %broadcast_in_dim3A_78 : vector<80x1xf32> to vector<80x512xf32>
      %mul3A_115 = arith.mulf %mul3A_114, %select_n3A_113 : vector<80x512xf32>
      %sub3A_116 = arith.constant 1.000000e+00 : f32
      %sub3A_117 = vector.broadcast %sub3A_116 : f32 to vector<80x512xf32>
      %sub3A_118 = arith.subf %sub3A_117, %mul3A_115 : vector<80x512xf32>
      %mul3A_119 = arith.mulf %scan3A_30, %sub3A_118 : vector<80x512xf32>
      scf.yield %mul3A_119 : vector<80x512xf32>
    }
    %scan3A_20 = arith.constant 512 : i32
    %gt3A = arith.constant 5.000000e-01 : f32
    %gt3A_21 = vector.broadcast %gt3A : f32 to vector<80x512xf32>
    %gt3A_22 = arith.cmpf ogt, %scan3A_19, %gt3A_21 : vector<80x512xf32>
    %gt3A_23 = arith.constant 5.000000e-02 : f32
    %gt3A_24 = vector.broadcast %gt3A_23 : f32 to vector<80x512xf32>
    %gt3A_25 = arith.cmpf ogt, %get3A_13, %gt3A_24 : vector<80x512xf32>
    %and3A = arith.andi %gt3A_22, %gt3A_25 : vector<80x512xi1>
    %jit3A = arith.constant -1.000000e+00 : f32
    %broadcast_in_dim3A_26 = vector.broadcast %jit3A : f32 to vector<80x512xf32>
    %select_n3A = arith.select %and3A, %get3A_13, %broadcast_in_dim3A_26 : vector<80x512xi1>, vector<80x512xf32>
    %swap3A = arith.constant 0 : index
    %swap3A_27 = arith.constant 0 : index
    %swap3A_28 = vector.load %arg6[%swap3A, %swap3A_27] : memref<80x512xf32, #tpu.memory_space<vmem>>, vector<80x512xf32>
    tpu.vector_store %arg6[%swap3A, %swap3A_27], %select_n3A {strides = array<i32>} : memref<80x512xf32, #tpu.memory_space<vmem>>, vector<80x512xf32>,
    return
  }
  func.func @transform_0(%arg0: i32) -> (i32, i32) {
    %c0_i32 = arith.constant 0 : i32
    %c0_i32_0 = arith.constant 0 : i32
    return %arg0, %c0_i32 : i32, i32
  }
  func.func @transform_1(%arg0: i32) -> (i32, i32) {
    %c0_i32 = arith.constant 0 : i32
    %c0_i32_0 = arith.constant 0 : i32
    return %arg0, %c0_i32 : i32, i32
  }
  func.func @transform_2(%arg0: i32) -> (i32, i32) {
    %c0_i32 = arith.constant 0 : i32
    %c0_i32_0 = arith.constant 0 : i32
    return %arg0, %c0_i32 : i32, i32
  }
  func.func @transform_3(%arg0: i32) -> (i32, i32) {
    %c0_i32 = arith.constant 0 : i32
    %c0_i32_0 = arith.constant 0 : i32
    return %arg0, %c0_i32 : i32, i32
  }
  func.func @transform_4(%arg0: i32) -> (i32, i32) {
    %c0_i32 = arith.constant 0 : i32
    %c0_i32_0 = arith.constant 0 : i32
    return %arg0, %c0_i32 : i32, i32
  }
  func.func @transform_5(%arg0: i32) -> (i32, i32) {
    %c0_i32 = arith.constant 0 : i32
    %c0_i32_0 = arith.constant 0 : i32
    return %arg0, %c0_i32 : i32, i32
  }
}

</mosaic_0001>

<sc_bundles>
// kernel: gather_offload_async_start.1
scs
__scs_entry_jumppad:
0x0: {  	(pc) =	sbr.rel $0x88, $3  }
0x1: {  	(tag) =	ssettag $0x0;
	lr =	simm.s32 $0x1  }
0x2: {  	[smem:$0x3F9E] =	sst lr;
	_ =	strace $0xD0000000  }
0x3: {  	_ = 	snop  }
0x4: {  	_ = 	snop  }
0x5: {  	_ = 	snop  }
0x6: {  	_ = 	snop  }
0x7: {  	_ = 	snop  }
__scs_overlays_trampoline_lowered:
0x8: {  	[smem:$0x3FAD] =	sst s0  }
0x9: {  	[smem:$0x3FAE] =	sst s1  }
0xa: {  	[smem:$0x3FAF] =	sst s2  }
0xb: {  	[smem:$0x3FB0] =	sst s3  }
0xc: {  	[smem:$0x3FB1] =	sst s4  }
0xd: {  	[smem:$0x3FB2] =	sst s5  }
0xe: {  	[smem:$0x3FB3] =	sst s6  }
0xf: {  	[smem:$0x3FB4] =	sst s7  }
0x10: {  	[smem:$0x3FB5] =	sst s8  }
0x11: {  	[smem:$0x3FB6] =	sst s9;
	s0 =	simm.s32 @!p0 $0x0  }
0x12: {  	s1 =	sld [smem:$0x3F9C];
	s0 =	simm.s32 @p0 $0x1  }
0x13: {  	[smem:$0x3FB7] =	sst s0;
	s0 =	simm.s32 @!p1 $0x0  }
0x14: {  	s2 =	sld [smem:$0x3F9B];
	s0 =	simm.s32 @p1 $0x1  }
0x15: {  	[smem:$0x3FB8] =	sst s0;
	s0 =	simm.s32 @!p2 $0x0  }
0x16: {  	s3 =	sld [smem:$0x3FDB];
	s0 =	simm.s32 @p2 $0x1  }
0x17: {  	s4 =	simm.s32 $0x1BF5;
	[smem:$0x3FBA] =	sst s0  }
0x18: {  	s0 =	sld [smem:$0x3F9D];
	_ =	swait.ge [sflag:s4], $0x0  }
0x19: {  	s7 =	sld [smem:$0x3F9E]  }
0x1a: {  	s8 =	sadd.s32 $0xFFFFE003, lr  }
0x1b: {  	s9 =	sadd.s32 $0xFFFFFEF7, lr;
	s5 =	simm.s32 $0xFFFFFFFF;
	p2 =	slt.u32 s8, $0xFFFFF086  }
0x1c: {  	p1 =	slt.u32 s9, $0xF7A;
	s5 =	simm.s32 @!p2 $0x0  }
0x1d: {  	s5 =	simm.s32 @p1 $0x1;
	p0 =	seq.s32 s7, s2  }
0x1e: {  	s7 =	smul.u32 @!p0 $0xF7A, s2;
	p2 =	seq.s32 @!p0 s5, $0x0  }
0x1f: {  	s9 =	smul.u32 $0xF7A, s1;
	s8 =	simm.s32 @!p0 $0x1BF5;
	p2 =	por !p2, p0  }
0x20: {  	[sflag:s8] =	ssyncset.s32 @!p0 $0xFFFFF086;
	s6 =	sadd.s32 @!p0 s3, s7;
	s7 =	simm.s32 @!p0 $0x108  }
0x21: {  	s3 =	sadd.s32 s3, s9;
	s6 =	sadd.s32 @!p0 $0x88, s6;
	s7 =	simm.s32 @p2 $0x1082  }
0x22: {  	[simem:s7], [sflag:s8] =	dma.local @!p0 [hbm:s6], $0xF7A  }
0x23: {  	s9 =	sor.u32 $0xD0000000, s2;
	s6 =	simm.s32 $0x108;
	_ =	swait.ge @!p0 [sflag:s8], $0x0  }
0x24: {  	s3 =	sadd.s32 $0x88, s3;
	s6 =	simm.s32 @!p1 $0x1082;
	[sflag:s4] =	ssyncset.s32 $0xFFFFF086  }
0x25: {  	[simem:s6], [sflag:s4] =	dma.local [hbm:s3], $0xF7A  }
0x26: {  	[smem:$0x3F9E] =	sst s1;
	(tag) =	ssettag s2;
	_ =	strace s9  }
0x27: {  	s1 =	sld [smem:$0x3FAE]  }
0x28: {  	s2 =	sld [smem:$0x3FAF]  }
0x29: {  	s4 =	sld [smem:$0x3FB1]  }
0x2a: {  	p0 =	seq.s32 s5, $0x0;
	s5 =	sld [smem:$0x3FB2]  }
0x2b: {  	s6 =	sld [smem:$0x3FB3]  }
0x2c: {  	s7 =	sld [smem:$0x3FB4]  }
0x2d: {  	s3 =	simm.s32 $0x108;
	s8 =	sld [smem:$0x3FB5]  }
0x2e: {  	s3 =	simm.s32 @!p0 $0x1082;
	s9 =	sld [smem:$0x3FB6]  }
0x2f: {  	lr =	sadd.s32 s0, s3;
	s0 =	sld [smem:$0x3FAD]  }
0x30: {  	s3 =	sld [smem:$0x3FB0]  }
0x31: {  	[smem:$0x3FB9] =	sst s10  }
0x32: {  	s10 =	sld [smem:$0x3FB7];
	_ =	sdelay $0x3  }
0x33: {  	p0 =	seq.s32 s10, $0x1;
	s10 =	sld [smem:$0x3FB9];
	_ =	sdelay $0x3  }
0x34: {  	[smem:$0x3FB9] =	sst s10  }
0x35: {  	s10 =	sld [smem:$0x3FB8];
	_ =	sdelay $0x3  }
0x36: {  	p1 =	seq.s32 s10, $0x1;
	s10 =	sld [smem:$0x3FB9];
	_ =	sdelay $0x3  }
0x37: {  	[smem:$0x3FB9] =	sst s10  }
0x38: {  	s10 =	sld [smem:$0x3FBA]  }
0x39: {  	_ = 	snop;
	(pc) =	sbr.ind lr, $3  }
0x3a: {  	_ = 	snop  }
0x3b: {  	_ = 	snop  }
0x3c: {  	p2 =	seq.s32 s10, $0x1;
	s10 =	sld [smem:$0x3FB9]  }
0x3d: {  	_ =	shalt  }
0x3e: {  	_ =	shalt  }
0x3f: {  	_ =	shalt  }
0x40: {  	_ =	shalt  }
0x41: {  	_ =	shalt  }
0x42: {  	_ =	shalt  }
0x43: {  	_ =	shalt  }
0x44: {  	_ =	shalt  }
0x45: {  	_ =	shalt  }
0x46: {  	_ =	shalt  }
0x47: {  	_ =	shalt  }
0x48: {  	_ =	shalt  }
0x49: {  	_ =	shalt  }
0x4a: {  	_ =	shalt  }
0x4b: {  	_ =	shalt  }
0x4c: {  	_ =	shalt  }
0x4d: {  	_ =	shalt  }
0x4e: {  	_ =	shalt  }
0x4f: {  	_ =	shalt  }
0x50: {  	_ =	shalt  }
0x51: {  	_ =	shalt  }
0x52: {  	_ =	shalt  }
0x53: {  	_ =	shalt  }
0x54: {  	_ =	shalt  }
0x55: {  	_ =	shalt  }
0x56: {  	_ =	shalt  }
0x57: {  	_ =	shalt  }
0x58: {  	_ =	shalt  }
0x59: {  	_ =	shalt  }
0x5a: {  	_ =	shalt  }
0x5b: {  	_ =	shalt  }
0x5c: {  	_ =	shalt  }
0x5d: {  	_ =	shalt  }
0x5e: {  	_ =	shalt  }
0x5f: {  	_ =	shalt  }
0x60: {  	_ =	shalt  }
0x61: {  	_ =	shalt  }
0x62: {  	_ =	shalt  }
0x63: {  	_ =	shalt  }
0x64: {  	_ =	shalt  }
0x65: {  	_ =	shalt  }
0x66: {  	_ =	shalt  }
0x67: {  	_ =	shalt  }
0x68: {  	_ =	shalt  }
0x69: {  	_ =	shalt  }
0x6a: {  	_ =	shalt  }
0x6b: {  	_ =	shalt  }
0x6c: {  	_ =	shalt  }
0x6d: {  	_ =	shalt  }
0x6e: {  	_ =	shalt  }
0x6f: {  	_ =	shalt  }
0x70: {  	_ =	shalt  }
0x71: {  	_ =	shalt  }
0x72: {  	_ =	shalt  }
0x73: {  	_ =	shalt  }
0x74: {  	_ =	shalt  }
0x75: {  	_ =	shalt  }
0x76: {  	_ =	shalt  }
0x77: {  	_ =	shalt  }
0x78: {  	_ =	shalt  }
0x79: {  	_ =	shalt  }
0x7a: {  	_ =	shalt  }
0x7b: {  	_ =	shalt  }
0x7c: {  	_ =	shalt  }
0x7d: {  	_ =	shalt  }
0x7e: {  	_ =	shalt  }
0x7f: {  	_ =	shalt  }
0x80: {  	_ =	shalt  }
0x81: {  	_ =	shalt  }
0x82: {  	_ =	shalt  }
0x83: {  	_ =	shalt  }
0x84: {  	_ =	shalt  }
0x85: {  	_ =	shalt  }
0x86: {  	_ =	shalt  }
0x87: {  	_ =	shalt  }
.Lfunc_end0:
.L_simem_size_0:
called_computation.1_lowered:
.L_overlay_start_0:
0x88: {  	s2 =	sld [smem:$0x3FD9]  }
0x89: {  	s3 =	sld [smem:$0x3FFE];
	_ =	sdelay $0x1  }
0x8a: {  	s1 =	srdreg.scid  }
0x8b: {  	s0 =	sand.u32 $0x1, s1  }
0x8c: {  	s16 =	sshll.u32 s0, $0xA;
	s2 =	sadd.s32 s3, s2  }
0x8d: {  	s2 =	sadd.s32 s2, s16  }
0x8e: {  	[smem:$0x3FC5] =	sst s2  }
0x8f: {  	_ = 	snop  }
0x90: {  	(tm) =	ssettm $0x1  }
0x91: {  	s17 =	sld [smem:$0x3FFB];
	_ =	sdelay $0x3  }
0x92: {  	_ =	strace s17  }
0x93: {  	s2 =	sld [smem:$0x3FFC];
	_ =	sdelay $0x3  }
0x94: {  	_ =	strace s2  }
0x95: {  	s2 =	sld [smem:$0x3FFD];
	_ =	sdelay $0x3  }
0x96: {  	_ =	strace s2  }
0x97: {  	_ =	strace $0x8FFFFFFF  }
0x98: {  	s18 =	sld [smem:$0x3FDB];
	_ =	sdelay $0x1  }
0x99: {  	s19 =	simm.s32 $_scs_section_size  }
0x9a: {  	s4 =	simm.s32 $_size__tile_overlayer_lowered;
	s5 =	simm.s32 $_tile_overlayer_lowered  }
0x9b: {  	s22 =	simm.s32 $0x1BFF;
	s21 =	sshll.u32 s5, $0x1;
	s2 =	sadd.s32 s19, s18  }
0x9c: {  	s6 =	simm.s32 $0x0;
	s20 =	sshll.u32 s4, $0x1;
	s4 =	sadd.s32 s21, s2  }
0x9d: {  	[timem:s6], [sflag:s22] =	dma.local [hbm:s4], s20  }
0x9e: {  	_ =	swait.ge [sflag:s22], s20  }
0x9f: {  	s3 =	ssub.s32 $0x0, s20;
	[sflag:s22] =	ssyncset.done $0x0  }
0xa0: {  	[sflag:s22] =	ssyncadd.s32 s3;
	_ =	sdelay $0x1  }
0xa1: {  	s23 =	simm.s32 $0x1B8B  }
0xa2: {  	_ =	swait.ge [sflag:s23], $0x1  }
0xa3: {  	[sflag:s23] =	ssyncset.done $0x0  }
0xa4: {  	s25 =	simm.s32 $0x1B8E;
	s24 =	sld [smem:$0x3FFE];
	[sflag:s23] =	ssyncadd.s32 $0xFFFFFFFF  }
0xa5: {  	s26 =	simm.s32 $execute0_lowered;
	[smem:$0x3FD2] =	sst s25  }
0xa6: {  	s4 =	sshll.u32 s26, $0x1;
	_ =	strace $0x8000004C;
	[dreg:$0x1] =	wrdreg $0xFFFFFFFF  }
0xa7: {  	s28 =	simm.s32 $_size_execute0_lowered;
	s2 =	sadd.s32 s2, s4;
	[dreg:$0x0] =	wrdreg $0x0  }
0xa8: {  	s4 =	sshll.u32 s28, $0x1;
	[dreg:$0x2] =	wrdreg s2  }
0xa9: {  	[dreg:$0x3] =	wrdreg s4  }
0xaa: {  	[dreg:$0x4] =	wrdreg $0xC0  }
0xab: {  	_ =	task [dreg:s6], $0x5FFFF  }
0xac: {  	[dreg:$0x1] =	wrdreg $0xFFFFFFFF  }
0xad: {  	[dreg:$0x0] =	wrdreg $0x60  }
0xae: {  	[dreg:$0x2] =	wrdreg s24  }
0xaf: {  	[dreg:$0x3] =	wrdreg $0x9  }
0xb0: {  	_ =	task.clear_ibuf [dreg:s6], $0x4FFFF;
	_ =	strace $0x9000004C  }
0xb1: {  	s29 =	simm.s32 $0x9;
	_ =	strace $0x8000004E  }
0xb2: {  	_ =	swait.ge [sflag:s29], $0x1  }
0xb3: {  	[sflag:s29] =	ssyncadd.s32 $0xFFFFFFFF  }
0xb4: {  	_ =	strace $0x9000004E  }
0xb5: {  	_ =	sfence  }
0xb6: {  	s30 =	sld [smem:$0x0];
	_ =	sdelay $0x2  }
0xb7: {  	s31 =	sshll.u32 s1, $0xD;
	s1 =	sshrl.u32 s1, $0x2  }
0xb8: {  	s3 =	sand.u32 $0x4000, s31;
	s1 =	sadd.s32 s1, s30  }
0xb9: {  	s0 =	sor.u32 s3, s0;
	s1 =	sshll.u32 s1, $0x11  }
0xba: {  	s0 =	sor.u32 s1, s0  }
0xbb: {  	s0 =	sadd.s32 $0x8F2B, s0  }
0xbc: {  	[sflag:s0] =	ssyncadd.remote.s32 $0x1  }
0xbd: {  	_ =	sfence.sel $0xFFFF  }
0xbe: {  	[dreg:$0x0] =	wrdreg $0xFFFFFFFF;
	(pc) =	sbr.abs _section_cstart, $3  }
0xbf: {  	[dreg:$0x1] =	wrdreg $0xFFFFFFFF  }
0xc0: {  	_ =	task.clear_ibuf [dreg:s6], $0x2FFFF;
	_ =	strace $0x9FFFFFFF  }
0xc1: {  	(tm) =	ssettm $0x7FFFFFFF  }
tec
execute0_lowered:
.L_overlay_start_1:
0x0: {  	(tag) =	ssettag $0x1  }
0x1: {  	s1 =	srdreg.scid  }
0x2: {  	s0 =	stileid.u32;
	s2 =	rddreg [dreg:$0x0];
	s6 =	simm.s32 $0x1  }
0x3: {  	s9 =	simm.s32 $0x1;
	s10 =	simm.s32 $0x3;
	s1 =	sshll.u32 s1, $0xA  }
0x4: {  	s13 =	simm.s32 $0x0;
	s3 =	sshll.u32 s0, $0xB;
	s4 =	sand.u32 $0x400, s1  }
0x5: {  	s12 =	simm.s32 $0x0;
	s5 =	sadd.s32 $0x54600, s2;
	s3 =	sor.u32 s3, s4  }
0x6: {  	s1 =	rddreg [dreg:$0x1];
	_ =	strace $0x8000004D;
	s8 =	ssub.s32 $0xA000, s3  }
.Ltmp0:
0x7: {  	s4 =	sadd.s32 $0x53200, s2;
	s7 =	sand.u32 $0x7C00, s8;
	(pc) =	sbr.rel .LBB2_1-.Ltmp0, $4  }
0x8: {  	[sflag:s6] =	ssyncpa.u1 $0x0;
	s11 =	smov.u32 s3;
	p0 =	sne.s32 s7, $0x0  }
0x9: {  	s8 =	sshrl.u32 s8, $0xF;
	s7 =	simm.s32 $0x2;
	s9 =	simm.s32 @!p0 $0x0  }
0xa: {  	[sflag:s7] =	ssyncpa.u1 $0x0;
	p0 =	por $0x0, $0x0;
	s8 =	sadd.s32 s9, s8  }
0xb: {  	vm0 =	vmmov $0xffff;
	[sflag:s10] =	ssyncpa.u1 $0x0;
	s10 =	simm.s32 $0x0;
	s9 =	sadd.s32 $0x1, s8  }
.LBB2_4:
0xc: {  	vm1 =	veq.s32 v1, $0x80000000;
	v5 =	vand.u32 $0x7F, v1;
	v60 =	vand.u32 $0x3FFF80, v1  }
0xd: {  	v5 =	vsel vm1, $0xFFFFFFFF, v5;
	v1 =	vsel vm1, $0xFFFFFF80, v60  }
0xe: {  	v3 =	vor.u32 v4, v3;
	v61 =	vand.u32 $0xFFFFFC00, v1;
	v6 =	vand.u32 $0xFFFFFC00, v5  }
0xf: {  	v2 =	vor.u32 v2, v3;
	v1 =	vand.u32 $0x380, v1;
	v62 =	vadd.s32 v6, v61  }
0x10: {  	v63 =	vand.u32 $0x7F, v5;
	v1 =	vor.u32 v1, v62  }
0x11: {  	v1 =	vor.u32 v63, v1  }
0x12: {  	[tilespmem:s16], [sflag:$0x1] =	stream.indirect_vreg.gather [hbm4b:s2+s10], $0x1, v0, vm0, $0x4038;
	[tilespmem:$0x1000] =	vst v63  }
0x13: {  	(ifvalue) =	ssetifvalue $0x7FFFFFFF  }
0x14: {  	[tilespmem:s15], [sflag:$0x1] =	stream.indirect_vreg.gather [hbm4b:s2+s10], $0x1, v2, vm0, $0x4038;
	[tilespmem:$0x1000] =	vst v63  }
0x15: {  	s29 =	sadd.s32 $0x10, s15;
	(ifvalue) =	ssetifvalue $0x7FFFFFFF  }
0x16: {  	[tilespmem:s29], [sflag:$0x1] =	stream.indirect_vreg.gather [hbm4b:s2+s10], $0x1, v1, vm0, $0x4038;
	[tilespmem:$0x1000] =	vst v63  }
0x17: {  	_ =	swait.ge [sflag:s6], $0x400  }
0x18: {  	s30 =	sshrl.u32 s13, $0x3;
	[sflag:s6] =	ssyncset.done $0x0  }
0x19: {  	s31 =	sand.u32 $0x7, s13;
	s15 =	sadd.s32 s5, s30;
	[sflag:s6] =	ssyncadd.s32 $0xFFFFFC00  }
0x1a: {  	[hbm4b:s15+s31] =	stream.linear.scatter [tilespmem:s14], [sflag:$0x3], $0x400, $0x38;
	[tilespmem:$0x1000] =	vst v63  }
.LBB2_5:
0x1b: {  	s15 =	sadd.s32 $0x8000, s11  }
0x1c: {  	p2 =	sgt.s32 s15, $0x9FFF  }
0x1d: {  	s15 =	smov.u32 @p2 s3;
	p2 =	sne.s32 s12, s9  }
.Ltmp1:
0x1e: {  	p1 =	slt.u32 s12, $0x2;
	(pc) =	sbr.rel @!p2 .LBB2_6-.Ltmp1, $4  }
0x1f: {  	s14 =	simm.s32 @!p1 $0x3  }
0x20: {  	s16 =	sadd.s32 $0x1, s12;
	_ =	swait.ge @!p1 [sflag:s14], $0x400  }
0x21: {  	s13 =	smov.u32 s11;
	p0 =	por !p0, !p0;
	[sflag:s14] =	ssyncset.done @!p1 $0x0  }
0x22: {  	s12 =	smov.u32 s16;
	s11 =	smov.u32 s15;
	[sflag:s14] =	ssyncadd.s32 @!p1 $0xFFFFFC00  }
.LBB2_1:
0x23: {  	p1 =	sge.u32 s12, s8  }
0x24: {  	s14 =	sxor.u32 @!p1 $0xFFFFFFFF, s12  }
0x25: {  	s31 =	sadd.s32 $0xFFFFFFFF, s12;
	s15 =	sshrl.u32 @!p1 s11, $0x3;
	s14 =	sshll.u32 @!p1 s14, $0xA  }
0x26: {  	s16 =	sand.u32 @!p1 $0x7, s11;
	s15 =	sadd.s32 @!p1 s4, s15;
	s14 =	sand.u32 @!p1 $0x400, s14  }
0x27: {  	[tilespmem:s14], [sflag:$0x2] =	stream.linear.gather @!p1 [hbm4b:s15+s16], $0x400, $0x38;
	[tilespmem:$0x1000] =	vst v63  }
0x28: {  	p1 =	sge.u32 s31, s8  }
.Ltmp2:
0x29: {  	_ = 	snop;
	(pc) =	sbr.rel @p1 .LBB2_5-.Ltmp2, $1  }
0x2a: {  	_ =	sdelay $0x3  }
0x2b: {  	s14 =	simm.s32 $0x1  }
0x2c: {  	_ =	swait.ge [sflag:s7], $0x400;
	s14 =	simm.s32 @!p0 $0x0  }
0x2d: {  	[sflag:s7] =	ssyncset.done $0x0;
	s14 =	sshll.u32 s14, $0xA  }
0x2e: {  	[sflag:s7] =	ssyncadd.s32 $0xFFFFFC00;
	(ifvalue) =	ssetifvalue $0x7FFFFFFF;
	v0 =	vld.msk [tilespmem:s14+$0x0 ss:$0x1], $0xffff;
	_ =	sdelay $0x4  }
0x2f: {  	s15 =	sadd.s32 $0x10, s14;
	vm1 =	veq.s32 v0, $0x80000000;
	v2 =	vand.u32 $0x7F, v0;
	v0 =	vand.u32 $0x3FFF80, v0  }
0x30: {  	v1 =	vld.msk [tilespmem:s15+$0x0 ss:$0x1], $0xffff;
	v2 =	vsel vm1, $0xFFFFFFFF, v2;
	v0 =	vsel vm1, $0xFFFFFF80, v0  }
0x31: {  	v3 =	vand.u32 $0xFFFFFC00, v0;
	v4 =	vand.u32 $0xFFFFFC00, v2  }
0x32: {  	v0 =	vand.u32 $0x380, v0;
	v3 =	vadd.s32 v4, v3  }
0x33: {  	v2 =	vand.u32 $0x7F, v2;
	v0 =	vor.u32 v0, v3  }
0x34: {  	v0 =	vor.u32 v2, v0  }
0x35: {  	s16 =	sshll.u32 s12, $0xA;
	vm1 =	veq.s32 v1, $0x80000000;
	v4 =	vand.u32 $0x7F, v1;
	v1 =	vand.u32 $0x3FFF80, v1  }
0x36: {  	s18 =	sand.u32 $0x400, s16;
	v3 =	vsel vm1, $0xFFFFFFFF, v4;
	v4 =	vsel vm1, $0xFFFFFF80, v1  }
0x37: {  	s16 =	sor.u32 $0x800, s14;
	s14 =	sor.u32 $0x800, s18;
	s17 =	sadd.s32 $0x10, s15;
	v5 =	vand.u32 $0xFFFFFC00, v4;
	v6 =	vand.u32 $0xFFFFFC00, v3  }
0x38: {  	s18 =	simm.s32 $0x20;
	s15 =	sadd.s32 $0x10, s16;
	v1 =	vld.msk [tilespmem:s17+$0x0 ss:$0x1], $0xffff;
	(ifvalue) =	ssetifvalue $0x7FFFFFFF;
	v2 =	vand.u32 $0x7F, v3;
	v4 =	vand.u32 $0x380, v4;
	v3 =	vadd.s32 v6, v5  }
.LBB2_3:
0x39: {  	[tilespmem:s16], [sflag:$0x1] =	stream.indirect_vreg.gather [hbm4b:s2+s10], $0x1, v0, vm0, $0x4038;
	[tilespmem:$0x1000] =	vst v63  }
0x3a: {  	s18 =	sadd.s32 $0x10, s18  }
0x3b: {  	v3 =	vor.u32 v4, v3;
	p1 =	slt.u32 s18, $0x3F0  }
.Ltmp3:
0x3c: {  	s17 =	sadd.s32 $0x10, s17;
	v0 =	vor.u32 v2, v3;
	(pc) =	sbr.rel @p1 .LBB2_3-.Ltmp3, $4  }
0x3d: {  	vm1 =	veq.s32 v1, $0x80000000;
	s16 =	smov.u32 s15;
	v2 =	vand.u32 $0x7F, v1;
	v3 =	vand.u32 $0x3FFF80, v1;
	v1 =	vld.msk [tilespmem:s17+$0x0 ss:$0x1], $0xffff  }
0x3e: {  	v4 =	vsel vm1, $0xFFFFFFFF, v2;
	v5 =	vsel vm1, $0xFFFFFF80, v3  }
0x3f: {  	v2 =	vand.u32 $0x7F, v4;
	v3 =	vand.u32 $0xFFFFFC00, v5;
	v4 =	vand.u32 $0xFFFFFC00, v4  }
0x40: {  	s15 =	sadd.s32 $0x10, s15;
	v3 =	vadd.s32 v4, v3;
	v4 =	vand.u32 $0x380, v5;
	(ifvalue) =	ssetifvalue $0x7FFFFFFF  }
.Ltmp4:
0x41: {  	_ = 	snop;
	(pc) =	sbr.rel .LBB2_4-.Ltmp4, $1  }
0x42: {  	_ =	sdelay $0x3  }
.LBB2_6:
0x43: {  	_ =	sfence.sel $0x180000  }
0x44: {  	s2 =	simm.s32 $0x2;
	[bflag:$0x0] =	sbarrier.arrive $0xFFFF  }
0x45: {  	s30 =	simm.s32 $0x3;
	[sflag:s2] =	ssyncpa.u1 $0x1  }
0x46: {  	s31 =	simm.s32 $0x1;
	[sflag:s30] =	ssyncpa.u1 $0x1  }
0x47: {  	[sflag:s31] =	ssyncpa.u1 $0x1  }
0x48: {  	p0 =	sne.s32 s0, $0x0;
	_ =	strace $0x9000004D  }
0x49: {  	s0 =	sadd.s32 @!p0 $0x100000, s1;
	[bflag:$0x2] =	sbarrier.arrive $0xFFFF  }
0x4a: {  	[sflag:s0] =	ssyncadd.tile.s32 @!p0 $0x1;
	_ =	shalt  }
.Lfunc_end2:
_tile_overlayer_lowered:
.L_overlay_start_2:
0x4b: {  	(tag) =	ssettag $0x2  }
0x4c: {  	s0 =	rddreg [dreg:$0x0];
	s2 =	stileid.u32  }
0x4d: {  	s1 =	rddreg [dreg:$0x1];
	p0 =	sne.s32 s2, $0x0  }
0x4e: {  	s3 =	rddreg [dreg:$0x2];
	[bflag:$0x3] =	sbarrier.arrive $0xFFFF;
	s2 =	simm.s32 @!p0 $0x1C01  }
0x4f: {  	[timem:s3], [sflag:s2] =	dma.local @!p0 [hbm:s0], s1  }
0x50: {  	s0 =	simm.s32 @!p0 $0x1  }
0x51: {  	_ =	swait.ge @!p0 [sflag:s0], s1  }
0x52: {  	s1 =	ssub.s32 @!p0 $0x0, s1;
	[sflag:s0] =	ssyncset.done @!p0 $0x0  }
0x53: {  	[sflag:s0] =	ssyncadd.s32 @!p0 s1  }
0x54: {  	[bflag:$0x3] =	sbarrier.arrive $0xFFFF  }
0x55: {  	_ =	shalt  }

// kernel: gather_offload_async_start.2
scs
__scs_entry_jumppad:
0x0: {  	(pc) =	sbr.rel $0x88, $3  }
0x1: {  	(tag) =	ssettag $0x0;
	lr =	simm.s32 $0x1  }
0x2: {  	[smem:$0x3F9E] =	sst lr;
	_ =	strace $0xD0000000  }
0x3: {  	_ = 	snop  }
0x4: {  	_ = 	snop  }
0x5: {  	_ = 	snop  }
0x6: {  	_ = 	snop  }
0x7: {  	_ = 	snop  }
__scs_overlays_trampoline_lowered:
0x8: {  	[smem:$0x3FAD] =	sst s0  }
0x9: {  	[smem:$0x3FAE] =	sst s1  }
0xa: {  	[smem:$0x3FAF] =	sst s2  }
0xb: {  	[smem:$0x3FB0] =	sst s3  }
0xc: {  	[smem:$0x3FB1] =	sst s4  }
0xd: {  	[smem:$0x3FB2] =	sst s5  }
0xe: {  	[smem:$0x3FB3] =	sst s6  }
0xf: {  	[smem:$0x3FB4] =	sst s7  }
0x10: {  	[smem:$0x3FB5] =	sst s8  }
0x11: {  	[smem:$0x3FB6] =	sst s9;
	s0 =	simm.s32 @!p0 $0x0  }
0x12: {  	s1 =	sld [smem:$0x3F9C];
	s0 =	simm.s32 @p0 $0x1  }
0x13: {  	[smem:$0x3FB7] =	sst s0;
	s0 =	simm.s32 @!p1 $0x0  }
0x14: {  	s2 =	sld [smem:$0x3F9B];
	s0 =	simm.s32 @p1 $0x1  }
0x15: {  	[smem:$0x3FB8] =	sst s0;
	s0 =	simm.s32 @!p2 $0x0  }
0x16: {  	s3 =	sld [smem:$0x3FDB];
	s0 =	simm.s32 @p2 $0x1  }
0x17: {  	s4 =	simm.s32 $0x1BF5;
	[smem:$0x3FBA] =	sst s0  }
0x18: {  	s0 =	sld [smem:$0x3F9D];
	_ =	swait.ge [sflag:s4], $0x0  }
0x19: {  	s7 =	sld [smem:$0x3F9E]  }
0x1a: {  	s8 =	sadd.s32 $0xFFFFE003, lr  }
0x1b: {  	s9 =	sadd.s32 $0xFFFFFEF7, lr;
	s5 =	simm.s32 $0xFFFFFFFF;
	p2 =	slt.u32 s8, $0xFFFFF086  }
0x1c: {  	p1 =	slt.u32 s9, $0xF7A;
	s5 =	simm.s32 @!p2 $0x0  }
0x1d: {  	s5 =	simm.s32 @p1 $0x1;
	p0 =	seq.s32 s7, s2  }
0x1e: {  	s7 =	smul.u32 @!p0 $0xF7A, s2;
	p2 =	seq.s32 @!p0 s5, $0x0  }
0x1f: {  	s9 =	smul.u32 $0xF7A, s1;
	s8 =	simm.s32 @!p0 $0x1BF5;
	p2 =	por !p2, p0  }
0x20: {  	[sflag:s8] =	ssyncset.s32 @!p0 $0xFFFFF086;
	s6 =	sadd.s32 @!p0 s3, s7;
	s7 =	simm.s32 @!p0 $0x108  }
0x21: {  	s3 =	sadd.s32 s3, s9;
	s6 =	sadd.s32 @!p0 $0x88, s6;
	s7 =	simm.s32 @p2 $0x1082  }
0x22: {  	[simem:s7], [sflag:s8] =	dma.local @!p0 [hbm:s6], $0xF7A  }
0x23: {  	s9 =	sor.u32 $0xD0000000, s2;
	s6 =	simm.s32 $0x108;
	_ =	swait.ge @!p0 [sflag:s8], $0x0  }
0x24: {  	s3 =	sadd.s32 $0x88, s3;
	s6 =	simm.s32 @!p1 $0x1082;
	[sflag:s4] =	ssyncset.s32 $0xFFFFF086  }
0x25: {  	[simem:s6], [sflag:s4] =	dma.local [hbm:s3], $0xF7A  }
0x26: {  	[smem:$0x3F9E] =	sst s1;
	(tag) =	ssettag s2;
	_ =	strace s9  }
0x27: {  	s1 =	sld [smem:$0x3FAE]  }
0x28: {  	s2 =	sld [smem:$0x3FAF]  }
0x29: {  	s4 =	sld [smem:$0x3FB1]  }
0x2a: {  	p0 =	seq.s32 s5, $0x0;
	s5 =	sld [smem:$0x3FB2]  }
0x2b: {  	s6 =	sld [smem:$0x3FB3]  }
0x2c: {  	s7 =	sld [smem:$0x3FB4]  }
0x2d: {  	s3 =	simm.s32 $0x108;
	s8 =	sld [smem:$0x3FB5]  }
0x2e: {  	s3 =	simm.s32 @!p0 $0x1082;
	s9 =	sld [smem:$0x3FB6]  }
0x2f: {  	lr =	sadd.s32 s0, s3;
	s0 =	sld [smem:$0x3FAD]  }
0x30: {  	s3 =	sld [smem:$0x3FB0]  }
0x31: {  	[smem:$0x3FB9] =	sst s10  }
0x32: {  	s10 =	sld [smem:$0x3FB7];
	_ =	sdelay $0x3  }
0x33: {  	p0 =	seq.s32 s10, $0x1;
	s10 =	sld [smem:$0x3FB9];
	_ =	sdelay $0x3  }
0x34: {  	[smem:$0x3FB9] =	sst s10  }
0x35: {  	s10 =	sld [smem:$0x3FB8];
	_ =	sdelay $0x3  }
0x36: {  	p1 =	seq.s32 s10, $0x1;
	s10 =	sld [smem:$0x3FB9];
	_ =	sdelay $0x3  }
0x37: {  	[smem:$0x3FB9] =	sst s10  }
0x38: {  	s10 =	sld [smem:$0x3FBA]  }
0x39: {  	_ = 	snop;
	(pc) =	sbr.ind lr, $3  }
0x3a: {  	_ = 	snop  }
0x3b: {  	_ = 	snop  }
0x3c: {  	p2 =	seq.s32 s10, $0x1;
	s10 =	sld [smem:$0x3FB9]  }
0x3d: {  	_ =	shalt  }
0x3e: {  	_ =	shalt  }
0x3f: {  	_ =	shalt  }
0x40: {  	_ =	shalt  }
0x41: {  	_ =	shalt  }
0x42: {  	_ =	shalt  }
0x43: {  	_ =	shalt  }
0x44: {  	_ =	shalt  }
0x45: {  	_ =	shalt  }
0x46: {  	_ =	shalt  }
0x47: {  	_ =	shalt  }
0x48: {  	_ =	shalt  }
0x49: {  	_ =	shalt  }
0x4a: {  	_ =	shalt  }
0x4b: {  	_ =	shalt  }
0x4c: {  	_ =	shalt  }
0x4d: {  	_ =	shalt  }
0x4e: {  	_ =	shalt  }
0x4f: {  	_ =	shalt  }
0x50: {  	_ =	shalt  }
0x51: {  	_ =	shalt  }
0x52: {  	_ =	shalt  }
0x53: {  	_ =	shalt  }
0x54: {  	_ =	shalt  }
0x55: {  	_ =	shalt  }
0x56: {  	_ =	shalt  }
0x57: {  	_ =	shalt  }
0x58: {  	_ =	shalt  }
0x59: {  	_ =	shalt  }
0x5a: {  	_ =	shalt  }
0x5b: {  	_ =	shalt  }
0x5c: {  	_ =	shalt  }
0x5d: {  	_ =	shalt  }
0x5e: {  	_ =	shalt  }
0x5f: {  	_ =	shalt  }
0x60: {  	_ =	shalt  }
0x61: {  	_ =	shalt  }
0x62: {  	_ =	shalt  }
0x63: {  	_ =	shalt  }
0x64: {  	_ =	shalt  }
0x65: {  	_ =	shalt  }
0x66: {  	_ =	shalt  }
0x67: {  	_ =	shalt  }
0x68: {  	_ =	shalt  }
0x69: {  	_ =	shalt  }
0x6a: {  	_ =	shalt  }
0x6b: {  	_ =	shalt  }
0x6c: {  	_ =	shalt  }
0x6d: {  	_ =	shalt  }
0x6e: {  	_ =	shalt  }
0x6f: {  	_ =	shalt  }
0x70: {  	_ =	shalt  }
0x71: {  	_ =	shalt  }
0x72: {  	_ =	shalt  }
0x73: {  	_ =	shalt  }
0x74: {  	_ =	shalt  }
0x75: {  	_ =	shalt  }
0x76: {  	_ =	shalt  }
0x77: {  	_ =	shalt  }
0x78: {  	_ =	shalt  }
0x79: {  	_ =	shalt  }
0x7a: {  	_ =	shalt  }
0x7b: {  	_ =	shalt  }
0x7c: {  	_ =	shalt  }
0x7d: {  	_ =	shalt  }
0x7e: {  	_ =	shalt  }
0x7f: {  	_ =	shalt  }
0x80: {  	_ =	shalt  }
0x81: {  	_ =	shalt  }
0x82: {  	_ =	shalt  }
0x83: {  	_ =	shalt  }
0x84: {  	_ =	shalt  }
0x85: {  	_ =	shalt  }
0x86: {  	_ =	shalt  }
0x87: {  	_ =	shalt  }
.Lfunc_end0:
.L_simem_size_0:
called_computation.2_lowered:
.L_overlay_start_0:
0x88: {  	s2 =	sld [smem:$0x3FD9]  }
0x89: {  	s3 =	sld [smem:$0x3FFE];
	_ =	sdelay $0x1  }
0x8a: {  	s1 =	srdreg.scid  }
0x8b: {  	s0 =	sand.u32 $0x1, s1  }
0x8c: {  	s17 =	sshll.u32 s0, $0xA;
	s2 =	sadd.s32 s3, s2  }
0x8d: {  	s2 =	sadd.s32 s2, s17  }
0x8e: {  	[smem:$0x3FC5] =	sst s2  }
0x8f: {  	_ = 	snop  }
0x90: {  	(tm) =	ssettm $0x1  }
0x91: {  	s18 =	sld [smem:$0x3FFB];
	_ =	sdelay $0x3  }
0x92: {  	_ =	strace s18  }
0x93: {  	s2 =	sld [smem:$0x3FFC];
	_ =	sdelay $0x3  }
0x94: {  	_ =	strace s2  }
0x95: {  	s2 =	sld [smem:$0x3FFD];
	_ =	sdelay $0x3  }
0x96: {  	_ =	strace s2  }
0x97: {  	_ =	strace $0x8FFFFFFF  }
0x98: {  	s19 =	sld [smem:$0x3FDB];
	_ =	sdelay $0x1  }
0x99: {  	s20 =	simm.s32 $_scs_section_size  }
0x9a: {  	s4 =	simm.s32 $_size__tile_overlayer_lowered;
	s5 =	simm.s32 $_tile_overlayer_lowered  }
0x9b: {  	s6 =	simm.s32 $0x1BFF;
	s21 =	sshll.u32 s5, $0x1;
	s3 =	sadd.s32 s20, s19  }
0x9c: {  	s22 =	simm.s32 $0x0;
	s4 =	sshll.u32 s4, $0x1;
	s5 =	sadd.s32 s21, s3  }
0x9d: {  	[timem:s22], [sflag:s6] =	dma.local [hbm:s5], s4  }
0x9e: {  	_ =	swait.ge [sflag:s6], s4  }
0x9f: {  	s4 =	ssub.s32 $0x0, s4;
	[sflag:s6] =	ssyncset.done $0x0  }
0xa0: {  	[sflag:s6] =	ssyncadd.s32 s4;
	_ =	sdelay $0x1  }
0xa1: {  	s23 =	simm.s32 $0x1B8B  }
0xa2: {  	_ =	swait.ge [sflag:s23], $0x1  }
0xa3: {  	[sflag:s23] =	ssyncset.done $0x0  }
0xa4: {  	[sflag:s23] =	ssyncadd.s32 $0xFFFFFFFF  }
0xa5: {  	s4 =	sld [smem:$0x0]  }
0xa6: {  	s5 =	sand.u32 $0xFFFFFFFE, s1  }
0xa7: {  	p0 =	sne.s32 s1, s5  }
0xa8: {  	s5 =	sshll.u32 @p0 s5, $0xE  }
0xa9: {  	s5 =	sadd.s32 @p0 $0x11B8D, s5;
	s6 =	sshll.u32 @p0 s4, $0x11  }
0xaa: {  	s5 =	sor.u32 @p0 s6, s5  }
0xab: {  	[sflag:s5] =	ssyncadd.remote.s32 @p0 $0x1;
	_ =	sdelay $0x1  }
0xac: {  	s5 =	simm.s32 @p0 $0x1B8D  }
0xad: {  	_ =	swait.eq @p0 [sflag:s5], $0x1  }
0xae: {  	[sflag:s5] =	ssyncadd.s32 @p0 $0xFFFFFFFF  }
0xaf: {  	s6 =	sshll.u32 @!p0 s1, $0xE  }
0xb0: {  	s6 =	sor.u32 @!p0 $0x4000, s6;
	s5 =	simm.s32 @!p0 $0x1B8D  }
0xb1: {  	s4 =	sshll.u32 @!p0 s4, $0x11;
	s6 =	sadd.s32 @!p0 $0x11B8D, s6;
	_ =	swait.eq @!p0 [sflag:s5], $0x1  }
0xb2: {  	s4 =	sor.u32 @!p0 s4, s6;
	[sflag:s5] =	ssyncadd.s32 @!p0 $0xFFFFFFFF  }
0xb3: {  	s25 =	simm.s32 $0x1B8E;
	s24 =	sld [smem:$0x3FFE];
	[sflag:s4] =	ssyncadd.remote.s32 @!p0 $0x1  }
0xb4: {  	s26 =	simm.s32 $execute0_lowered;
	[smem:$0x3FD2] =	sst s25  }
0xb5: {  	s5 =	sshll.u32 s26, $0x1;
	_ =	strace $0x80000052;
	[dreg:$0x1] =	wrdreg $0xFFFFFFFF  }
0xb6: {  	s28 =	simm.s32 $_size_execute0_lowered;
	s3 =	sadd.s32 s3, s5;
	[dreg:$0x0] =	wrdreg $0x0  }
0xb7: {  	s5 =	sshll.u32 s28, $0x1;
	[dreg:$0x2] =	wrdreg s3  }
0xb8: {  	[dreg:$0x3] =	wrdreg s5  }
0xb9: {  	[dreg:$0x4] =	wrdreg $0xC0  }
0xba: {  	_ =	task [dreg:s22], $0x5FFFF  }
0xbb: {  	[dreg:$0x1] =	wrdreg $0xFFFFFFFF  }
0xbc: {  	[dreg:$0x0] =	wrdreg $0x60  }
0xbd: {  	[dreg:$0x2] =	wrdreg s24  }
0xbe: {  	[dreg:$0x3] =	wrdreg $0x9  }
0xbf: {  	_ =	task.clear_ibuf [dreg:s22], $0x4FFFF;
	_ =	strace $0x90000052  }
0xc0: {  	s29 =	simm.s32 $0x9;
	_ =	strace $0x80000054  }
0xc1: {  	_ =	swait.ge [sflag:s29], $0x1  }
0xc2: {  	[sflag:s29] =	ssyncadd.s32 $0xFFFFFFFF  }
0xc3: {  	_ =	strace $0x90000054  }
0xc4: {  	_ =	sfence  }
0xc5: {  	s30 =	sld [smem:$0x0];
	_ =	sdelay $0x2  }
0xc6: {  	s31 =	sshll.u32 s1, $0xD;
	s1 =	sshrl.u32 s1, $0x2  }
0xc7: {  	s4 =	sand.u32 $0x4000, s31;
	s1 =	sadd.s32 s1, s30  }
0xc8: {  	s0 =	sor.u32 s4, s0;
	s1 =	sshll.u32 s1, $0x11  }
0xc9: {  	s0 =	sor.u32 s1, s0  }
0xca: {  	s0 =	sadd.s32 $0x8F2B, s0  }
0xcb: {  	[sflag:s0] =	ssyncadd.remote.s32 $0x1  }
0xcc: {  	_ =	sfence.sel $0xFFFF  }
0xcd: {  	[dreg:$0x0] =	wrdreg $0xFFFFFFFF;
	(pc) =	sbr.abs _section_cstart, $3  }
0xce: {  	[dreg:$0x1] =	wrdreg $0xFFFFFFFF  }
0xcf: {  	_ =	task.clear_ibuf [dreg:s22], $0x2FFFF;
	_ =	strace $0x9FFFFFFF  }
0xd0: {  	(tm) =	ssettm $0x7FFFFFFF  }
0xd1: {  	_ =	shalt  }
tec
execute0_lowered:
.L_overlay_start_1:
0x0: {  	(tag) =	ssettag $0x1  }
0x1: {  	s0 =	srdreg.scid;
	s5 =	rddreg [dreg:$0x0]  }
0x2: {  	s1 =	stileid.u32;
	s6 =	simm.s32 $0x1;
	s9 =	simm.s32 $0x1  }
0x3: {  	s10 =	simm.s32 $0x3;
	s13 =	simm.s32 $0x0;
	s2 =	sshll.u32 s0, $0xA  }
0x4: {  	s12 =	simm.s32 $0x0;
	s3 =	sshll.u32 s1, $0xB;
	s2 =	sand.u32 $0x400, s2  }
0x5: {  	s0 =	rddreg [dreg:$0x1];
	_ =	strace $0x80000053;
	s2 =	sor.u32 s3, s2  }
0x6: {  	s4 =	sadd.s32 $0x53200, s5;
	[sflag:s6] =	ssyncpa.u1 $0x0;
	s8 =	ssub.s32 $0xA000, s2  }
.Ltmp0:
0x7: {  	s3 =	sadd.s32 $0xF8200, s5;
	s7 =	sand.u32 $0x7C00, s8;
	(pc) =	sbr.rel .LBB2_1-.Ltmp0, $4  }
0x8: {  	s5 =	sadd.s32 $0x58200, s5;
	s11 =	smov.u32 s2;
	p0 =	sne.s32 s7, $0x0  }
0x9: {  	s8 =	sshrl.u32 s8, $0xF;
	s7 =	simm.s32 $0x2;
	s9 =	simm.s32 @!p0 $0x0  }
0xa: {  	[sflag:s7] =	ssyncpa.u1 $0x0;
	p0 =	por $0x0, $0x0;
	s8 =	sadd.s32 s9, s8  }
0xb: {  	vm0 =	vmmov $0xffff;
	[sflag:s10] =	ssyncpa.u1 $0x0;
	s10 =	simm.s32 $0x0;
	s9 =	sadd.s32 $0x1, s8  }
.LBB2_4:
0xc: {  	vm1 =	veq.s32 v1, $0x80000000;
	v5 =	vand.u32 $0x7F, v1;
	v60 =	vand.u32 $0x3FFF80, v1  }
0xd: {  	v5 =	vsel vm1, $0xFFFFFFFF, v5;
	v1 =	vsel vm1, $0xFFFFFF80, v60  }
0xe: {  	v3 =	vor.u32 v4, v3;
	v61 =	vand.u32 $0xFFFFFC00, v1;
	v6 =	vand.u32 $0xFFFFFC00, v5  }
0xf: {  	v2 =	vor.u32 v2, v3;
	v1 =	vand.u32 $0x380, v1;
	v62 =	vadd.s32 v6, v61  }
0x10: {  	v63 =	vand.u32 $0x7F, v5;
	v1 =	vor.u32 v1, v62  }
0x11: {  	v1 =	vor.u32 v63, v1  }
0x12: {  	[tilespmem:s16], [sflag:$0x1] =	stream.indirect_vreg.gather [hbm4b:s3+s10], $0x1, v0, vm0, $0x4038;
	[tilespmem:$0x1000] =	vst v63  }
0x13: {  	(ifvalue) =	ssetifvalue $0x7FFFFFFF  }
0x14: {  	[tilespmem:s15], [sflag:$0x1] =	stream.indirect_vreg.gather [hbm4b:s3+s10], $0x1, v2, vm0, $0x4038;
	[tilespmem:$0x1000] =	vst v63  }
0x15: {  	s29 =	sadd.s32 $0x10, s15;
	(ifvalue) =	ssetifvalue $0x7FFFFFFF  }
0x16: {  	[tilespmem:s29], [sflag:$0x1] =	stream.indirect_vreg.gather [hbm4b:s3+s10], $0x1, v1, vm0, $0x4038;
	[tilespmem:$0x1000] =	vst v63  }
0x17: {  	_ =	swait.ge [sflag:s6], $0x400  }
0x18: {  	s30 =	sshrl.u32 s13, $0x3;
	[sflag:s6] =	ssyncset.done $0x0  }
0x19: {  	s31 =	sand.u32 $0x7, s13;
	s15 =	sadd.s32 s5, s30;
	[sflag:s6] =	ssyncadd.s32 $0xFFFFFC00  }
0x1a: {  	[hbm4b:s15+s31] =	stream.linear.scatter [tilespmem:s14], [sflag:$0x3], $0x400, $0x38;
	[tilespmem:$0x1000] =	vst v63  }
.LBB2_5:
0x1b: {  	s15 =	sadd.s32 $0x8000, s11  }
0x1c: {  	p2 =	sgt.s32 s15, $0x9FFF  }
0x1d: {  	s15 =	smov.u32 @p2 s2;
	p2 =	sne.s32 s12, s9  }
.Ltmp1:
0x1e: {  	p1 =	slt.u32 s12, $0x2;
	(pc) =	sbr.rel @!p2 .LBB2_6-.Ltmp1, $4  }
0x1f: {  	s14 =	simm.s32 @!p1 $0x3  }
0x20: {  	s16 =	sadd.s32 $0x1, s12;
	_ =	swait.ge @!p1 [sflag:s14], $0x400  }
0x21: {  	s13 =	smov.u32 s11;
	p0 =	por !p0, !p0;
	[sflag:s14] =	ssyncset.done @!p1 $0x0  }
0x22: {  	s12 =	smov.u32 s16;
	s11 =	smov.u32 s15;
	[sflag:s14] =	ssyncadd.s32 @!p1 $0xFFFFFC00  }
.LBB2_1:
0x23: {  	p1 =	sge.u32 s12, s8  }
0x24: {  	s14 =	sxor.u32 @!p1 $0xFFFFFFFF, s12  }
0x25: {  	s31 =	sadd.s32 $0xFFFFFFFF, s12;
	s15 =	sshrl.u32 @!p1 s11, $0x3;
	s14 =	sshll.u32 @!p1 s14, $0xA  }
0x26: {  	s16 =	sand.u32 @!p1 $0x7, s11;
	s15 =	sadd.s32 @!p1 s4, s15;
	s14 =	sand.u32 @!p1 $0x400, s14  }
0x27: {  	[tilespmem:s14], [sflag:$0x2] =	stream.linear.gather @!p1 [hbm4b:s15+s16], $0x400, $0x38;
	[tilespmem:$0x1000] =	vst v63  }
0x28: {  	p1 =	sge.u32 s31, s8  }
.Ltmp2:
0x29: {  	_ = 	snop;
	(pc) =	sbr.rel @p1 .LBB2_5-.Ltmp2, $1  }
0x2a: {  	_ =	sdelay $0x3  }
0x2b: {  	s14 =	simm.s32 $0x1  }
0x2c: {  	_ =	swait.ge [sflag:s7], $0x400;
	s14 =	simm.s32 @!p0 $0x0  }
0x2d: {  	[sflag:s7] =	ssyncset.done $0x0;
	s14 =	sshll.u32 s14, $0xA  }
0x2e: {  	[sflag:s7] =	ssyncadd.s32 $0xFFFFFC00;
	(ifvalue) =	ssetifvalue $0x7FFFFFFF;
	v0 =	vld.msk [tilespmem:s14+$0x0 ss:$0x1], $0xffff;
	_ =	sdelay $0x4  }
0x2f: {  	s15 =	sadd.s32 $0x10, s14;
	vm1 =	veq.s32 v0, $0x80000000;
	v2 =	vand.u32 $0x7F, v0;
	v0 =	vand.u32 $0x3FFF80, v0  }
0x30: {  	v1 =	vld.msk [tilespmem:s15+$0x0 ss:$0x1], $0xffff;
	v2 =	vsel vm1, $0xFFFFFFFF, v2;
	v0 =	vsel vm1, $0xFFFFFF80, v0  }
0x31: {  	v3 =	vand.u32 $0xFFFFFC00, v0;
	v4 =	vand.u32 $0xFFFFFC00, v2  }
0x32: {  	v0 =	vand.u32 $0x380, v0;
	v3 =	vadd.s32 v4, v3  }
0x33: {  	v2 =	vand.u32 $0x7F, v2;
	v0 =	vor.u32 v0, v3  }
0x34: {  	v0 =	vor.u32 v2, v0  }
0x35: {  	s16 =	sshll.u32 s12, $0xA;
	vm1 =	veq.s32 v1, $0x80000000;
	v4 =	vand.u32 $0x7F, v1;
	v1 =	vand.u32 $0x3FFF80, v1  }
0x36: {  	s18 =	sand.u32 $0x400, s16;
	v3 =	vsel vm1, $0xFFFFFFFF, v4;
	v4 =	vsel vm1, $0xFFFFFF80, v1  }
0x37: {  	s16 =	sor.u32 $0x800, s14;
	s14 =	sor.u32 $0x800, s18;
	s17 =	sadd.s32 $0x10, s15;
	v5 =	vand.u32 $0xFFFFFC00, v4;
	v6 =	vand.u32 $0xFFFFFC00, v3  }
0x38: {  	s18 =	simm.s32 $0x20;
	s15 =	sadd.s32 $0x10, s16;
	v1 =	vld.msk [tilespmem:s17+$0x0 ss:$0x1], $0xffff;
	(ifvalue) =	ssetifvalue $0x7FFFFFFF;
	v2 =	vand.u32 $0x7F, v3;
	v4 =	vand.u32 $0x380, v4;
	v3 =	vadd.s32 v6, v5  }
.LBB2_3:
0x39: {  	[tilespmem:s16], [sflag:$0x1] =	stream.indirect_vreg.gather [hbm4b:s3+s10], $0x1, v0, vm0, $0x4038;
	[tilespmem:$0x1000] =	vst v63  }
0x3a: {  	s18 =	sadd.s32 $0x10, s18  }
0x3b: {  	v3 =	vor.u32 v4, v3;
	p1 =	slt.u32 s18, $0x3F0  }
.Ltmp3:
0x3c: {  	s17 =	sadd.s32 $0x10, s17;
	v0 =	vor.u32 v2, v3;
	(pc) =	sbr.rel @p1 .LBB2_3-.Ltmp3, $4  }
0x3d: {  	vm1 =	veq.s32 v1, $0x80000000;
	s16 =	smov.u32 s15;
	v2 =	vand.u32 $0x7F, v1;
	v3 =	vand.u32 $0x3FFF80, v1;
	v1 =	vld.msk [tilespmem:s17+$0x0 ss:$0x1], $0xffff  }
0x3e: {  	v4 =	vsel vm1, $0xFFFFFFFF, v2;
	v5 =	vsel vm1, $0xFFFFFF80, v3  }
0x3f: {  	v2 =	vand.u32 $0x7F, v4;
	v3 =	vand.u32 $0xFFFFFC00, v5;
	v4 =	vand.u32 $0xFFFFFC00, v4  }
0x40: {  	s15 =	sadd.s32 $0x10, s15;
	v3 =	vadd.s32 v4, v3;
	v4 =	vand.u32 $0x380, v5;
	(ifvalue) =	ssetifvalue $0x7FFFFFFF  }
.Ltmp4:
0x41: {  	_ = 	snop;
	(pc) =	sbr.rel .LBB2_4-.Ltmp4, $1  }
0x42: {  	_ =	sdelay $0x3  }
.LBB2_6:
0x43: {  	_ =	sfence.sel $0x180000  }
0x44: {  	s2 =	simm.s32 $0x2;
	[bflag:$0x0] =	sbarrier.arrive $0xFFFF  }
0x45: {  	s30 =	simm.s32 $0x3;
	[sflag:s2] =	ssyncpa.u1 $0x1  }
0x46: {  	s31 =	simm.s32 $0x1;
	[sflag:s30] =	ssyncpa.u1 $0x1  }
0x47: {  	[sflag:s31] =	ssyncpa.u1 $0x1  }
0x48: {  	p0 =	sne.s32 s1, $0x0;
	_ =	strace $0x90000053  }
0x49: {  	s0 =	sadd.s32 @!p0 $0x100000, s0;
	[bflag:$0x2] =	sbarrier.arrive $0xFFFF  }
0x4a: {  	[sflag:s0] =	ssyncadd.tile.s32 @!p0 $0x1;
	_ =	shalt  }
.Lfunc_end2:
_tile_overlayer_lowered:
.L_overlay_start_2:
0x4b: {  	(tag) =	ssettag $0x2  }
0x4c: {  	s0 =	rddreg [dreg:$0x0];
	s2 =	stileid.u32  }
0x4d: {  	s1 =	rddreg [dreg:$0x1];
	p0 =	sne.s32 s2, $0x0  }
0x4e: {  	s3 =	rddreg [dreg:$0x2];
	[bflag:$0x3] =	sbarrier.arrive $0xFFFF;
	s2 =	simm.s32 @!p0 $0x1C01  }
0x4f: {  	[timem:s3], [sflag:s2] =	dma.local @!p0 [hbm:s0], s1  }
0x50: {  	s0 =	simm.s32 @!p0 $0x1  }
0x51: {  	_ =	swait.ge @!p0 [sflag:s0], s1  }
0x52: {  	s1 =	ssub.s32 @!p0 $0x0, s1;
	[sflag:s0] =	ssyncset.done @!p0 $0x0  }
0x53: {  	[sflag:s0] =	ssyncadd.s32 @!p0 s1  }
0x54: {  	[bflag:$0x3] =	sbarrier.arrive $0xFFFF  }
0x55: {  	_ =	shalt  }

// kernel: gather_offload_async_start.3
scs
__scs_entry_jumppad:
0x0: {  	(pc) =	sbr.rel $0x88, $3  }
0x1: {  	(tag) =	ssettag $0x0;
	lr =	simm.s32 $0x1  }
0x2: {  	[smem:$0x3F9E] =	sst lr;
	_ =	strace $0xD0000000  }
0x3: {  	_ = 	snop  }
0x4: {  	_ = 	snop  }
0x5: {  	_ = 	snop  }
0x6: {  	_ = 	snop  }
0x7: {  	_ = 	snop  }
__scs_overlays_trampoline_lowered:
0x8: {  	[smem:$0x3FAD] =	sst s0  }
0x9: {  	[smem:$0x3FAE] =	sst s1  }
0xa: {  	[smem:$0x3FAF] =	sst s2  }
0xb: {  	[smem:$0x3FB0] =	sst s3  }
0xc: {  	[smem:$0x3FB1] =	sst s4  }
0xd: {  	[smem:$0x3FB2] =	sst s5  }
0xe: {  	[smem:$0x3FB3] =	sst s6  }
0xf: {  	[smem:$0x3FB4] =	sst s7  }
0x10: {  	[smem:$0x3FB5] =	sst s8  }
0x11: {  	[smem:$0x3FB6] =	sst s9;
	s0 =	simm.s32 @!p0 $0x0  }
0x12: {  	s1 =	sld [smem:$0x3F9C];
	s0 =	simm.s32 @p0 $0x1  }
0x13: {  	[smem:$0x3FB7] =	sst s0;
	s0 =	simm.s32 @!p1 $0x0  }
0x14: {  	s2 =	sld [smem:$0x3F9B];
	s0 =	simm.s32 @p1 $0x1  }
0x15: {  	[smem:$0x3FB8] =	sst s0;
	s0 =	simm.s32 @!p2 $0x0  }
0x16: {  	s3 =	sld [smem:$0x3FDB];
	s0 =	simm.s32 @p2 $0x1  }
0x17: {  	s4 =	simm.s32 $0x1BF5;
	[smem:$0x3FBA] =	sst s0  }
0x18: {  	s0 =	sld [smem:$0x3F9D];
	_ =	swait.ge [sflag:s4], $0x0  }
0x19: {  	s7 =	sld [smem:$0x3F9E]  }
0x1a: {  	s8 =	sadd.s32 $0xFFFFE003, lr  }
0x1b: {  	s9 =	sadd.s32 $0xFFFFFEF7, lr;
	s5 =	simm.s32 $0xFFFFFFFF;
	p2 =	slt.u32 s8, $0xFFFFF086  }
0x1c: {  	p1 =	slt.u32 s9, $0xF7A;
	s5 =	simm.s32 @!p2 $0x0  }
0x1d: {  	s5 =	simm.s32 @p1 $0x1;
	p0 =	seq.s32 s7, s2  }
0x1e: {  	s7 =	smul.u32 @!p0 $0xF7A, s2;
	p2 =	seq.s32 @!p0 s5, $0x0  }
0x1f: {  	s9 =	smul.u32 $0xF7A, s1;
	s8 =	simm.s32 @!p0 $0x1BF5;
	p2 =	por !p2, p0  }
0x20: {  	[sflag:s8] =	ssyncset.s32 @!p0 $0xFFFFF086;
	s6 =	sadd.s32 @!p0 s3, s7;
	s7 =	simm.s32 @!p0 $0x108  }
0x21: {  	s3 =	sadd.s32 s3, s9;
	s6 =	sadd.s32 @!p0 $0x88, s6;
	s7 =	simm.s32 @p2 $0x1082  }
0x22: {  	[simem:s7], [sflag:s8] =	dma.local @!p0 [hbm:s6], $0xF7A  }
0x23: {  	s9 =	sor.u32 $0xD0000000, s2;
	s6 =	simm.s32 $0x108;
	_ =	swait.ge @!p0 [sflag:s8], $0x0  }
0x24: {  	s3 =	sadd.s32 $0x88, s3;
	s6 =	simm.s32 @!p1 $0x1082;
	[sflag:s4] =	ssyncset.s32 $0xFFFFF086  }
0x25: {  	[simem:s6], [sflag:s4] =	dma.local [hbm:s3], $0xF7A  }
0x26: {  	[smem:$0x3F9E] =	sst s1;
	(tag) =	ssettag s2;
	_ =	strace s9  }
0x27: {  	s1 =	sld [smem:$0x3FAE]  }
0x28: {  	s2 =	sld [smem:$0x3FAF]  }
0x29: {  	s4 =	sld [smem:$0x3FB1]  }
0x2a: {  	p0 =	seq.s32 s5, $0x0;
	s5 =	sld [smem:$0x3FB2]  }
0x2b: {  	s6 =	sld [smem:$0x3FB3]  }
0x2c: {  	s7 =	sld [smem:$0x3FB4]  }
0x2d: {  	s3 =	simm.s32 $0x108;
	s8 =	sld [smem:$0x3FB5]  }
0x2e: {  	s3 =	simm.s32 @!p0 $0x1082;
	s9 =	sld [smem:$0x3FB6]  }
0x2f: {  	lr =	sadd.s32 s0, s3;
	s0 =	sld [smem:$0x3FAD]  }
0x30: {  	s3 =	sld [smem:$0x3FB0]  }
0x31: {  	[smem:$0x3FB9] =	sst s10  }
0x32: {  	s10 =	sld [smem:$0x3FB7];
	_ =	sdelay $0x3  }
0x33: {  	p0 =	seq.s32 s10, $0x1;
	s10 =	sld [smem:$0x3FB9];
	_ =	sdelay $0x3  }
0x34: {  	[smem:$0x3FB9] =	sst s10  }
0x35: {  	s10 =	sld [smem:$0x3FB8];
	_ =	sdelay $0x3  }
0x36: {  	p1 =	seq.s32 s10, $0x1;
	s10 =	sld [smem:$0x3FB9];
	_ =	sdelay $0x3  }
0x37: {  	[smem:$0x3FB9] =	sst s10  }
0x38: {  	s10 =	sld [smem:$0x3FBA]  }
0x39: {  	_ = 	snop;
	(pc) =	sbr.ind lr, $3  }
0x3a: {  	_ = 	snop  }
0x3b: {  	_ = 	snop  }
0x3c: {  	p2 =	seq.s32 s10, $0x1;
	s10 =	sld [smem:$0x3FB9]  }
0x3d: {  	_ =	shalt  }
0x3e: {  	_ =	shalt  }
0x3f: {  	_ =	shalt  }
0x40: {  	_ =	shalt  }
0x41: {  	_ =	shalt  }
0x42: {  	_ =	shalt  }
0x43: {  	_ =	shalt  }
0x44: {  	_ =	shalt  }
0x45: {  	_ =	shalt  }
0x46: {  	_ =	shalt  }
0x47: {  	_ =	shalt  }
0x48: {  	_ =	shalt  }
0x49: {  	_ =	shalt  }
0x4a: {  	_ =	shalt  }
0x4b: {  	_ =	shalt  }
0x4c: {  	_ =	shalt  }
0x4d: {  	_ =	shalt  }
0x4e: {  	_ =	shalt  }
0x4f: {  	_ =	shalt  }
0x50: {  	_ =	shalt  }
0x51: {  	_ =	shalt  }
0x52: {  	_ =	shalt  }
0x53: {  	_ =	shalt  }
0x54: {  	_ =	shalt  }
0x55: {  	_ =	shalt  }
0x56: {  	_ =	shalt  }
0x57: {  	_ =	shalt  }
0x58: {  	_ =	shalt  }
0x59: {  	_ =	shalt  }
0x5a: {  	_ =	shalt  }
0x5b: {  	_ =	shalt  }
0x5c: {  	_ =	shalt  }
0x5d: {  	_ =	shalt  }
0x5e: {  	_ =	shalt  }
0x5f: {  	_ =	shalt  }
0x60: {  	_ =	shalt  }
0x61: {  	_ =	shalt  }
0x62: {  	_ =	shalt  }
0x63: {  	_ =	shalt  }
0x64: {  	_ =	shalt  }
0x65: {  	_ =	shalt  }
0x66: {  	_ =	shalt  }
0x67: {  	_ =	shalt  }
0x68: {  	_ =	shalt  }
0x69: {  	_ =	shalt  }
0x6a: {  	_ =	shalt  }
0x6b: {  	_ =	shalt  }
0x6c: {  	_ =	shalt  }
0x6d: {  	_ =	shalt  }
0x6e: {  	_ =	shalt  }
0x6f: {  	_ =	shalt  }
0x70: {  	_ =	shalt  }
0x71: {  	_ =	shalt  }
0x72: {  	_ =	shalt  }
0x73: {  	_ =	shalt  }
0x74: {  	_ =	shalt  }
0x75: {  	_ =	shalt  }
0x76: {  	_ =	shalt  }
0x77: {  	_ =	shalt  }
0x78: {  	_ =	shalt  }
0x79: {  	_ =	shalt  }
0x7a: {  	_ =	shalt  }
0x7b: {  	_ =	shalt  }
0x7c: {  	_ =	shalt  }
0x7d: {  	_ =	shalt  }
0x7e: {  	_ =	shalt  }
0x7f: {  	_ =	shalt  }
0x80: {  	_ =	shalt  }
0x81: {  	_ =	shalt  }
0x82: {  	_ =	shalt  }
0x83: {  	_ =	shalt  }
0x84: {  	_ =	shalt  }
0x85: {  	_ =	shalt  }
0x86: {  	_ =	shalt  }
0x87: {  	_ =	shalt  }
.Lfunc_end0:
.L_simem_size_0:
called_computation.3_lowered:
.L_overlay_start_0:
0x88: {  	s2 =	sld [smem:$0x3FD9]  }
0x89: {  	s3 =	sld [smem:$0x3FFE];
	_ =	sdelay $0x1  }
0x8a: {  	s1 =	srdreg.scid  }
0x8b: {  	s0 =	sand.u32 $0x1, s1  }
0x8c: {  	s16 =	sshll.u32 s0, $0xA;
	s2 =	sadd.s32 s3, s2  }
0x8d: {  	s2 =	sadd.s32 s2, s16  }
0x8e: {  	[smem:$0x3FC5] =	sst s2  }
0x8f: {  	_ = 	snop  }
0x90: {  	(tm) =	ssettm $0x1  }
0x91: {  	s17 =	sld [smem:$0x3FFB];
	_ =	sdelay $0x3  }
0x92: {  	_ =	strace s17  }
0x93: {  	s2 =	sld [smem:$0x3FFC];
	_ =	sdelay $0x3  }
0x94: {  	_ =	strace s2  }
0x95: {  	s2 =	sld [smem:$0x3FFD];
	_ =	sdelay $0x3  }
0x96: {  	_ =	strace s2  }
0x97: {  	_ =	strace $0x8FFFFFFF  }
0x98: {  	s18 =	sld [smem:$0x3FDB];
	_ =	sdelay $0x1  }
0x99: {  	s19 =	simm.s32 $_scs_section_size  }
0x9a: {  	s4 =	simm.s32 $_size__tile_overlayer_lowered;
	s5 =	simm.s32 $_tile_overlayer_lowered  }
0x9b: {  	s22 =	simm.s32 $0x1BFF;
	s21 =	sshll.u32 s5, $0x1;
	s2 =	sadd.s32 s19, s18  }
0x9c: {  	s6 =	simm.s32 $0x0;
	s20 =	sshll.u32 s4, $0x1;
	s4 =	sadd.s32 s21, s2  }
0x9d: {  	[timem:s6], [sflag:s22] =	dma.local [hbm:s4], s20  }
0x9e: {  	_ =	swait.ge [sflag:s22], s20  }
0x9f: {  	s3 =	ssub.s32 $0x0, s20;
	[sflag:s22] =	ssyncset.done $0x0  }
0xa0: {  	[sflag:s22] =	ssyncadd.s32 s3;
	_ =	sdelay $0x1  }
0xa1: {  	s23 =	simm.s32 $0x1B8B  }
0xa2: {  	_ =	swait.ge [sflag:s23], $0x1  }
0xa3: {  	[sflag:s23] =	ssyncset.done $0x0  }
0xa4: {  	s25 =	simm.s32 $0x1B8E;
	s24 =	sld [smem:$0x3FFE];
	[sflag:s23] =	ssyncadd.s32 $0xFFFFFFFF  }
0xa5: {  	s26 =	simm.s32 $execute0_lowered;
	[smem:$0x3FD2] =	sst s25  }
0xa6: {  	s4 =	sshll.u32 s26, $0x1;
	_ =	strace $0x80000049;
	[dreg:$0x1] =	wrdreg $0xFFFFFFFF  }
0xa7: {  	s28 =	simm.s32 $_size_execute0_lowered;
	s2 =	sadd.s32 s2, s4;
	[dreg:$0x0] =	wrdreg $0x0  }
0xa8: {  	s4 =	sshll.u32 s28, $0x1;
	[dreg:$0x2] =	wrdreg s2  }
0xa9: {  	[dreg:$0x3] =	wrdreg s4  }
0xaa: {  	[dreg:$0x4] =	wrdreg $0xC0  }
0xab: {  	_ =	task [dreg:s6], $0x5FFFF  }
0xac: {  	[dreg:$0x1] =	wrdreg $0xFFFFFFFF  }
0xad: {  	[dreg:$0x0] =	wrdreg $0x60  }
0xae: {  	[dreg:$0x2] =	wrdreg s24  }
0xaf: {  	[dreg:$0x3] =	wrdreg $0x9  }
0xb0: {  	_ =	task.clear_ibuf [dreg:s6], $0x4FFFF;
	_ =	strace $0x90000049  }
0xb1: {  	s29 =	simm.s32 $0x9;
	_ =	strace $0x8000004B  }
0xb2: {  	_ =	swait.ge [sflag:s29], $0x1  }
0xb3: {  	[sflag:s29] =	ssyncadd.s32 $0xFFFFFFFF  }
0xb4: {  	_ =	strace $0x9000004B  }
0xb5: {  	_ =	sfence  }
0xb6: {  	s30 =	sld [smem:$0x0];
	_ =	sdelay $0x2  }
0xb7: {  	s31 =	sshll.u32 s1, $0xD;
	s1 =	sshrl.u32 s1, $0x2  }
0xb8: {  	s3 =	sand.u32 $0x4000, s31;
	s1 =	sadd.s32 s1, s30  }
0xb9: {  	s0 =	sor.u32 s3, s0;
	s1 =	sshll.u32 s1, $0x11  }
0xba: {  	s0 =	sor.u32 s1, s0  }
0xbb: {  	s0 =	sadd.s32 $0x8F2B, s0  }
0xbc: {  	[sflag:s0] =	ssyncadd.remote.s32 $0x1  }
0xbd: {  	_ =	sfence.sel $0xFFFF  }
0xbe: {  	[dreg:$0x0] =	wrdreg $0xFFFFFFFF;
	(pc) =	sbr.abs _section_cstart, $3  }
0xbf: {  	[dreg:$0x1] =	wrdreg $0xFFFFFFFF  }
0xc0: {  	_ =	task.clear_ibuf [dreg:s6], $0x2FFFF;
	_ =	strace $0x9FFFFFFF  }
0xc1: {  	(tm) =	ssettm $0x7FFFFFFF  }
tec
execute0_lowered:
.L_overlay_start_1:
0x0: {  	(tag) =	ssettag $0x1  }
0x1: {  	s0 =	srdreg.scid;
	s5 =	rddreg [dreg:$0x0]  }
0x2: {  	s1 =	stileid.u32;
	s6 =	simm.s32 $0x1;
	s9 =	simm.s32 $0x1  }
0x3: {  	s10 =	simm.s32 $0x3;
	s13 =	simm.s32 $0x0;
	s2 =	sshll.u32 s0, $0xA  }
0x4: {  	s12 =	simm.s32 $0x0;
	s3 =	sshll.u32 s1, $0xB;
	s2 =	sand.u32 $0x400, s2  }
0x5: {  	s0 =	rddreg [dreg:$0x1];
	_ =	strace $0x8000004A;
	s2 =	sor.u32 s3, s2  }
0x6: {  	s4 =	sadd.s32 $0x53200, s5;
	[sflag:s6] =	ssyncpa.u1 $0x0;
	s8 =	ssub.s32 $0xA000, s2  }
.Ltmp0:
0x7: {  	s3 =	sadd.s32 $0x5AA00, s5;
	s7 =	sand.u32 $0x7C00, s8;
	(pc) =	sbr.rel .LBB2_1-.Ltmp0, $4  }
0x8: {  	s5 =	sadd.s32 $0x54600, s5;
	s11 =	smov.u32 s2;
	p0 =	sne.s32 s7, $0x0  }
0x9: {  	s8 =	sshrl.u32 s8, $0xF;
	s7 =	simm.s32 $0x2;
	s9 =	simm.s32 @!p0 $0x0  }
0xa: {  	[sflag:s7] =	ssyncpa.u1 $0x0;
	p0 =	por $0x0, $0x0;
	s8 =	sadd.s32 s9, s8  }
0xb: {  	vm0 =	vmmov $0xffff;
	[sflag:s10] =	ssyncpa.u1 $0x0;
	s10 =	simm.s32 $0x0;
	s9 =	sadd.s32 $0x1, s8  }
.LBB2_4:
0xc: {  	vm1 =	veq.s32 v1, $0x80000000;
	v5 =	vand.u32 $0x7F, v1;
	v60 =	vand.u32 $0x3FFF80, v1  }
0xd: {  	v5 =	vsel vm1, $0xFFFFFFFF, v5;
	v1 =	vsel vm1, $0xFFFFFF80, v60  }
0xe: {  	v3 =	vor.u32 v4, v3;
	v61 =	vand.u32 $0xFFFFFC00, v1;
	v6 =	vand.u32 $0xFFFFFC00, v5  }
0xf: {  	v2 =	vor.u32 v2, v3;
	v1 =	vand.u32 $0x380, v1;
	v62 =	vadd.s32 v6, v61  }
0x10: {  	v63 =	vand.u32 $0x7F, v5;
	v1 =	vor.u32 v1, v62  }
0x11: {  	v1 =	vor.u32 v63, v1  }
0x12: {  	[tilespmem:s16], [sflag:$0x1] =	stream.indirect_vreg.gather [hbm4b:s3+s10], $0x1, v0, vm0, $0x4038;
	[tilespmem:$0x1000] =	vst v63  }
0x13: {  	(ifvalue) =	ssetifvalue $0x7FFFFFFF  }
0x14: {  	[tilespmem:s15], [sflag:$0x1] =	stream.indirect_vreg.gather [hbm4b:s3+s10], $0x1, v2, vm0, $0x4038;
	[tilespmem:$0x1000] =	vst v63  }
0x15: {  	s29 =	sadd.s32 $0x10, s15;
	(ifvalue) =	ssetifvalue $0x7FFFFFFF  }
0x16: {  	[tilespmem:s29], [sflag:$0x1] =	stream.indirect_vreg.gather [hbm4b:s3+s10], $0x1, v1, vm0, $0x4038;
	[tilespmem:$0x1000] =	vst v63  }
0x17: {  	_ =	swait.ge [sflag:s6], $0x400  }
0x18: {  	s30 =	sshrl.u32 s13, $0x3;
	[sflag:s6] =	ssyncset.done $0x0  }
0x19: {  	s31 =	sand.u32 $0x7, s13;
	s15 =	sadd.s32 s5, s30;
	[sflag:s6] =	ssyncadd.s32 $0xFFFFFC00  }
0x1a: {  	[hbm4b:s15+s31] =	stream.linear.scatter [tilespmem:s14], [sflag:$0x3], $0x400, $0x38;
	[tilespmem:$0x1000] =	vst v63  }
.LBB2_5:
0x1b: {  	s15 =	sadd.s32 $0x8000, s11  }
0x1c: {  	p2 =	sgt.s32 s15, $0x9FFF  }
0x1d: {  	s15 =	smov.u32 @p2 s2;
	p2 =	sne.s32 s12, s9  }
.Ltmp1:
0x1e: {  	p1 =	slt.u32 s12, $0x2;
	(pc) =	sbr.rel @!p2 .LBB2_6-.Ltmp1, $4  }
0x1f: {  	s14 =	simm.s32 @!p1 $0x3  }
0x20: {  	s16 =	sadd.s32 $0x1, s12;
	_ =	swait.ge @!p1 [sflag:s14], $0x400  }
0x21: {  	s13 =	smov.u32 s11;
	p0 =	por !p0, !p0;
	[sflag:s14] =	ssyncset.done @!p1 $0x0  }
0x22: {  	s12 =	smov.u32 s16;
	s11 =	smov.u32 s15;
	[sflag:s14] =	ssyncadd.s32 @!p1 $0xFFFFFC00  }
.LBB2_1:
0x23: {  	p1 =	sge.u32 s12, s8  }
0x24: {  	s14 =	sxor.u32 @!p1 $0xFFFFFFFF, s12  }
0x25: {  	s31 =	sadd.s32 $0xFFFFFFFF, s12;
	s15 =	sshrl.u32 @!p1 s11, $0x3;
	s14 =	sshll.u32 @!p1 s14, $0xA  }
0x26: {  	s16 =	sand.u32 @!p1 $0x7, s11;
	s15 =	sadd.s32 @!p1 s4, s15;
	s14 =	sand.u32 @!p1 $0x400, s14  }
0x27: {  	[tilespmem:s14], [sflag:$0x2] =	stream.linear.gather @!p1 [hbm4b:s15+s16], $0x400, $0x38;
	[tilespmem:$0x1000] =	vst v63  }
0x28: {  	p1 =	sge.u32 s31, s8  }
.Ltmp2:
0x29: {  	_ = 	snop;
	(pc) =	sbr.rel @p1 .LBB2_5-.Ltmp2, $1  }
0x2a: {  	_ =	sdelay $0x3  }
0x2b: {  	s14 =	simm.s32 $0x1  }
0x2c: {  	_ =	swait.ge [sflag:s7], $0x400;
	s14 =	simm.s32 @!p0 $0x0  }
0x2d: {  	[sflag:s7] =	ssyncset.done $0x0;
	s14 =	sshll.u32 s14, $0xA  }
0x2e: {  	[sflag:s7] =	ssyncadd.s32 $0xFFFFFC00;
	(ifvalue) =	ssetifvalue $0x7FFFFFFF;
	v0 =	vld.msk [tilespmem:s14+$0x0 ss:$0x1], $0xffff;
	_ =	sdelay $0x4  }
0x2f: {  	s15 =	sadd.s32 $0x10, s14;
	vm1 =	veq.s32 v0, $0x80000000;
	v2 =	vand.u32 $0x7F, v0;
	v0 =	vand.u32 $0x3FFF80, v0  }
0x30: {  	v1 =	vld.msk [tilespmem:s15+$0x0 ss:$0x1], $0xffff;
	v2 =	vsel vm1, $0xFFFFFFFF, v2;
	v0 =	vsel vm1, $0xFFFFFF80, v0  }
0x31: {  	v3 =	vand.u32 $0xFFFFFC00, v0;
	v4 =	vand.u32 $0xFFFFFC00, v2  }
0x32: {  	v0 =	vand.u32 $0x380, v0;
	v3 =	vadd.s32 v4, v3  }
0x33: {  	v2 =	vand.u32 $0x7F, v2;
	v0 =	vor.u32 v0, v3  }
0x34: {  	v0 =	vor.u32 v2, v0  }
0x35: {  	s16 =	sshll.u32 s12, $0xA;
	vm1 =	veq.s32 v1, $0x80000000;
	v4 =	vand.u32 $0x7F, v1;
	v1 =	vand.u32 $0x3FFF80, v1  }
0x36: {  	s18 =	sand.u32 $0x400, s16;
	v3 =	vsel vm1, $0xFFFFFFFF, v4;
	v4 =	vsel vm1, $0xFFFFFF80, v1  }
0x37: {  	s16 =	sor.u32 $0x800, s14;
	s14 =	sor.u32 $0x800, s18;
	s17 =	sadd.s32 $0x10, s15;
	v5 =	vand.u32 $0xFFFFFC00, v4;
	v6 =	vand.u32 $0xFFFFFC00, v3  }
0x38: {  	s18 =	simm.s32 $0x20;
	s15 =	sadd.s32 $0x10, s16;
	v1 =	vld.msk [tilespmem:s17+$0x0 ss:$0x1], $0xffff;
	(ifvalue) =	ssetifvalue $0x7FFFFFFF;
	v2 =	vand.u32 $0x7F, v3;
	v4 =	vand.u32 $0x380, v4;
	v3 =	vadd.s32 v6, v5  }
.LBB2_3:
0x39: {  	[tilespmem:s16], [sflag:$0x1] =	stream.indirect_vreg.gather [hbm4b:s3+s10], $0x1, v0, vm0, $0x4038;
	[tilespmem:$0x1000] =	vst v63  }
0x3a: {  	s18 =	sadd.s32 $0x10, s18  }
0x3b: {  	v3 =	vor.u32 v4, v3;
	p1 =	slt.u32 s18, $0x3F0  }
.Ltmp3:
0x3c: {  	s17 =	sadd.s32 $0x10, s17;
	v0 =	vor.u32 v2, v3;
	(pc) =	sbr.rel @p1 .LBB2_3-.Ltmp3, $4  }
0x3d: {  	vm1 =	veq.s32 v1, $0x80000000;
	s16 =	smov.u32 s15;
	v2 =	vand.u32 $0x7F, v1;
	v3 =	vand.u32 $0x3FFF80, v1;
	v1 =	vld.msk [tilespmem:s17+$0x0 ss:$0x1], $0xffff  }
0x3e: {  	v4 =	vsel vm1, $0xFFFFFFFF, v2;
	v5 =	vsel vm1, $0xFFFFFF80, v3  }
0x3f: {  	v2 =	vand.u32 $0x7F, v4;
	v3 =	vand.u32 $0xFFFFFC00, v5;
	v4 =	vand.u32 $0xFFFFFC00, v4  }
0x40: {  	s15 =	sadd.s32 $0x10, s15;
	v3 =	vadd.s32 v4, v3;
	v4 =	vand.u32 $0x380, v5;
	(ifvalue) =	ssetifvalue $0x7FFFFFFF  }
.Ltmp4:
0x41: {  	_ = 	snop;
	(pc) =	sbr.rel .LBB2_4-.Ltmp4, $1  }
0x42: {  	_ =	sdelay $0x3  }
.LBB2_6:
0x43: {  	_ =	sfence.sel $0x180000  }
0x44: {  	s2 =	simm.s32 $0x2;
	[bflag:$0x0] =	sbarrier.arrive $0xFFFF  }
0x45: {  	s30 =	simm.s32 $0x3;
	[sflag:s2] =	ssyncpa.u1 $0x1  }
0x46: {  	s31 =	simm.s32 $0x1;
	[sflag:s30] =	ssyncpa.u1 $0x1  }
0x47: {  	[sflag:s31] =	ssyncpa.u1 $0x1  }
0x48: {  	p0 =	sne.s32 s1, $0x0;
	_ =	strace $0x9000004A  }
0x49: {  	s0 =	sadd.s32 @!p0 $0x100000, s0;
	[bflag:$0x2] =	sbarrier.arrive $0xFFFF  }
0x4a: {  	[sflag:s0] =	ssyncadd.tile.s32 @!p0 $0x1;
	_ =	shalt  }
.Lfunc_end2:
_tile_overlayer_lowered:
.L_overlay_start_2:
0x4b: {  	(tag) =	ssettag $0x2  }
0x4c: {  	s0 =	rddreg [dreg:$0x0];
	s2 =	stileid.u32  }
0x4d: {  	s1 =	rddreg [dreg:$0x1];
	p0 =	sne.s32 s2, $0x0  }
0x4e: {  	s3 =	rddreg [dreg:$0x2];
	[bflag:$0x3] =	sbarrier.arrive $0xFFFF;
	s2 =	simm.s32 @!p0 $0x1C01  }
0x4f: {  	[timem:s3], [sflag:s2] =	dma.local @!p0 [hbm:s0], s1  }
0x50: {  	s0 =	simm.s32 @!p0 $0x1  }
0x51: {  	_ =	swait.ge @!p0 [sflag:s0], s1  }
0x52: {  	s1 =	ssub.s32 @!p0 $0x0, s1;
	[sflag:s0] =	ssyncset.done @!p0 $0x0  }
0x53: {  	[sflag:s0] =	ssyncadd.s32 @!p0 s1  }
0x54: {  	[bflag:$0x3] =	sbarrier.arrive $0xFFFF  }
0x55: {  	_ =	shalt  }

// kernel: gather_offload_async_start.4
scs
__scs_entry_jumppad:
0x0: {  	(pc) =	sbr.rel $0x88, $3  }
0x1: {  	(tag) =	ssettag $0x0;
	lr =	simm.s32 $0x1  }
0x2: {  	[smem:$0x3F9E] =	sst lr;
	_ =	strace $0xD0000000  }
0x3: {  	_ = 	snop  }
0x4: {  	_ = 	snop  }
0x5: {  	_ = 	snop  }
0x6: {  	_ = 	snop  }
0x7: {  	_ = 	snop  }
__scs_overlays_trampoline_lowered:
0x8: {  	[smem:$0x3FAD] =	sst s0  }
0x9: {  	[smem:$0x3FAE] =	sst s1  }
0xa: {  	[smem:$0x3FAF] =	sst s2  }
0xb: {  	[smem:$0x3FB0] =	sst s3  }
0xc: {  	[smem:$0x3FB1] =	sst s4  }
0xd: {  	[smem:$0x3FB2] =	sst s5  }
0xe: {  	[smem:$0x3FB3] =	sst s6  }
0xf: {  	[smem:$0x3FB4] =	sst s7  }
0x10: {  	[smem:$0x3FB5] =	sst s8  }
0x11: {  	[smem:$0x3FB6] =	sst s9;
	s0 =	simm.s32 @!p0 $0x0  }
0x12: {  	s1 =	sld [smem:$0x3F9C];
	s0 =	simm.s32 @p0 $0x1  }
0x13: {  	[smem:$0x3FB7] =	sst s0;
	s0 =	simm.s32 @!p1 $0x0  }
0x14: {  	s2 =	sld [smem:$0x3F9B];
	s0 =	simm.s32 @p1 $0x1  }
0x15: {  	[smem:$0x3FB8] =	sst s0;
	s0 =	simm.s32 @!p2 $0x0  }
0x16: {  	s3 =	sld [smem:$0x3FDB];
	s0 =	simm.s32 @p2 $0x1  }
0x17: {  	s4 =	simm.s32 $0x1BF5;
	[smem:$0x3FBA] =	sst s0  }
0x18: {  	s0 =	sld [smem:$0x3F9D];
	_ =	swait.ge [sflag:s4], $0x0  }
0x19: {  	s7 =	sld [smem:$0x3F9E]  }
0x1a: {  	s8 =	sadd.s32 $0xFFFFE003, lr  }
0x1b: {  	s9 =	sadd.s32 $0xFFFFFEF7, lr;
	s5 =	simm.s32 $0xFFFFFFFF;
	p2 =	slt.u32 s8, $0xFFFFF086  }
0x1c: {  	p1 =	slt.u32 s9, $0xF7A;
	s5 =	simm.s32 @!p2 $0x0  }
0x1d: {  	s5 =	simm.s32 @p1 $0x1;
	p0 =	seq.s32 s7, s2  }
0x1e: {  	s7 =	smul.u32 @!p0 $0xF7A, s2;
	p2 =	seq.s32 @!p0 s5, $0x0  }
0x1f: {  	s9 =	smul.u32 $0xF7A, s1;
	s8 =	simm.s32 @!p0 $0x1BF5;
	p2 =	por !p2, p0  }
0x20: {  	[sflag:s8] =	ssyncset.s32 @!p0 $0xFFFFF086;
	s6 =	sadd.s32 @!p0 s3, s7;
	s7 =	simm.s32 @!p0 $0x108  }
0x21: {  	s3 =	sadd.s32 s3, s9;
	s6 =	sadd.s32 @!p0 $0x88, s6;
	s7 =	simm.s32 @p2 $0x1082  }
0x22: {  	[simem:s7], [sflag:s8] =	dma.local @!p0 [hbm:s6], $0xF7A  }
0x23: {  	s9 =	sor.u32 $0xD0000000, s2;
	s6 =	simm.s32 $0x108;
	_ =	swait.ge @!p0 [sflag:s8], $0x0  }
0x24: {  	s3 =	sadd.s32 $0x88, s3;
	s6 =	simm.s32 @!p1 $0x1082;
	[sflag:s4] =	ssyncset.s32 $0xFFFFF086  }
0x25: {  	[simem:s6], [sflag:s4] =	dma.local [hbm:s3], $0xF7A  }
0x26: {  	[smem:$0x3F9E] =	sst s1;
	(tag) =	ssettag s2;
	_ =	strace s9  }
0x27: {  	s1 =	sld [smem:$0x3FAE]  }
0x28: {  	s2 =	sld [smem:$0x3FAF]  }
0x29: {  	s4 =	sld [smem:$0x3FB1]  }
0x2a: {  	p0 =	seq.s32 s5, $0x0;
	s5 =	sld [smem:$0x3FB2]  }
0x2b: {  	s6 =	sld [smem:$0x3FB3]  }
0x2c: {  	s7 =	sld [smem:$0x3FB4]  }
0x2d: {  	s3 =	simm.s32 $0x108;
	s8 =	sld [smem:$0x3FB5]  }
0x2e: {  	s3 =	simm.s32 @!p0 $0x1082;
	s9 =	sld [smem:$0x3FB6]  }
0x2f: {  	lr =	sadd.s32 s0, s3;
	s0 =	sld [smem:$0x3FAD]  }
0x30: {  	s3 =	sld [smem:$0x3FB0]  }
0x31: {  	[smem:$0x3FB9] =	sst s10  }
0x32: {  	s10 =	sld [smem:$0x3FB7];
	_ =	sdelay $0x3  }
0x33: {  	p0 =	seq.s32 s10, $0x1;
	s10 =	sld [smem:$0x3FB9];
	_ =	sdelay $0x3  }
0x34: {  	[smem:$0x3FB9] =	sst s10  }
0x35: {  	s10 =	sld [smem:$0x3FB8];
	_ =	sdelay $0x3  }
0x36: {  	p1 =	seq.s32 s10, $0x1;
	s10 =	sld [smem:$0x3FB9];
	_ =	sdelay $0x3  }
0x37: {  	[smem:$0x3FB9] =	sst s10  }
0x38: {  	s10 =	sld [smem:$0x3FBA]  }
0x39: {  	_ = 	snop;
	(pc) =	sbr.ind lr, $3  }
0x3a: {  	_ = 	snop  }
0x3b: {  	_ = 	snop  }
0x3c: {  	p2 =	seq.s32 s10, $0x1;
	s10 =	sld [smem:$0x3FB9]  }
0x3d: {  	_ =	shalt  }
0x3e: {  	_ =	shalt  }
0x3f: {  	_ =	shalt  }
0x40: {  	_ =	shalt  }
0x41: {  	_ =	shalt  }
0x42: {  	_ =	shalt  }
0x43: {  	_ =	shalt  }
0x44: {  	_ =	shalt  }
0x45: {  	_ =	shalt  }
0x46: {  	_ =	shalt  }
0x47: {  	_ =	shalt  }
0x48: {  	_ =	shalt  }
0x49: {  	_ =	shalt  }
0x4a: {  	_ =	shalt  }
0x4b: {  	_ =	shalt  }
0x4c: {  	_ =	shalt  }
0x4d: {  	_ =	shalt  }
0x4e: {  	_ =	shalt  }
0x4f: {  	_ =	shalt  }
0x50: {  	_ =	shalt  }
0x51: {  	_ =	shalt  }
0x52: {  	_ =	shalt  }
0x53: {  	_ =	shalt  }
0x54: {  	_ =	shalt  }
0x55: {  	_ =	shalt  }
0x56: {  	_ =	shalt  }
0x57: {  	_ =	shalt  }
0x58: {  	_ =	shalt  }
0x59: {  	_ =	shalt  }
0x5a: {  	_ =	shalt  }
0x5b: {  	_ =	shalt  }
0x5c: {  	_ =	shalt  }
0x5d: {  	_ =	shalt  }
0x5e: {  	_ =	shalt  }
0x5f: {  	_ =	shalt  }
0x60: {  	_ =	shalt  }
0x61: {  	_ =	shalt  }
0x62: {  	_ =	shalt  }
0x63: {  	_ =	shalt  }
0x64: {  	_ =	shalt  }
0x65: {  	_ =	shalt  }
0x66: {  	_ =	shalt  }
0x67: {  	_ =	shalt  }
0x68: {  	_ =	shalt  }
0x69: {  	_ =	shalt  }
0x6a: {  	_ =	shalt  }
0x6b: {  	_ =	shalt  }
0x6c: {  	_ =	shalt  }
0x6d: {  	_ =	shalt  }
0x6e: {  	_ =	shalt  }
0x6f: {  	_ =	shalt  }
0x70: {  	_ =	shalt  }
0x71: {  	_ =	shalt  }
0x72: {  	_ =	shalt  }
0x73: {  	_ =	shalt  }
0x74: {  	_ =	shalt  }
0x75: {  	_ =	shalt  }
0x76: {  	_ =	shalt  }
0x77: {  	_ =	shalt  }
0x78: {  	_ =	shalt  }
0x79: {  	_ =	shalt  }
0x7a: {  	_ =	shalt  }
0x7b: {  	_ =	shalt  }
0x7c: {  	_ =	shalt  }
0x7d: {  	_ =	shalt  }
0x7e: {  	_ =	shalt  }
0x7f: {  	_ =	shalt  }
0x80: {  	_ =	shalt  }
0x81: {  	_ =	shalt  }
0x82: {  	_ =	shalt  }
0x83: {  	_ =	shalt  }
0x84: {  	_ =	shalt  }
0x85: {  	_ =	shalt  }
0x86: {  	_ =	shalt  }
0x87: {  	_ =	shalt  }
.Lfunc_end0:
.L_simem_size_0:
called_computation.4_lowered:
.L_overlay_start_0:
0x88: {  	s2 =	sld [smem:$0x3FD9]  }
0x89: {  	s3 =	sld [smem:$0x3FFE];
	_ =	sdelay $0x1  }
0x8a: {  	s1 =	srdreg.scid  }
0x8b: {  	s0 =	sand.u32 $0x1, s1  }
0x8c: {  	s16 =	sshll.u32 s0, $0xA;
	s2 =	sadd.s32 s3, s2  }
0x8d: {  	s2 =	sadd.s32 s2, s16  }
0x8e: {  	[smem:$0x3FC5] =	sst s2  }
0x8f: {  	_ = 	snop  }
0x90: {  	(tm) =	ssettm $0x1  }
0x91: {  	s17 =	sld [smem:$0x3FFB];
	_ =	sdelay $0x3  }
0x92: {  	_ =	strace s17  }
0x93: {  	s2 =	sld [smem:$0x3FFC];
	_ =	sdelay $0x3  }
0x94: {  	_ =	strace s2  }
0x95: {  	s2 =	sld [smem:$0x3FFD];
	_ =	sdelay $0x3  }
0x96: {  	_ =	strace s2  }
0x97: {  	_ =	strace $0x8FFFFFFF  }
0x98: {  	s18 =	sld [smem:$0x3FDB];
	_ =	sdelay $0x1  }
0x99: {  	s19 =	simm.s32 $_scs_section_size  }
0x9a: {  	s4 =	simm.s32 $_size__tile_overlayer_lowered;
	s5 =	simm.s32 $_tile_overlayer_lowered  }
0x9b: {  	s22 =	simm.s32 $0x1BFF;
	s21 =	sshll.u32 s5, $0x1;
	s2 =	sadd.s32 s19, s18  }
0x9c: {  	s6 =	simm.s32 $0x0;
	s20 =	sshll.u32 s4, $0x1;
	s4 =	sadd.s32 s21, s2  }
0x9d: {  	[timem:s6], [sflag:s22] =	dma.local [hbm:s4], s20  }
0x9e: {  	_ =	swait.ge [sflag:s22], s20  }
0x9f: {  	s3 =	ssub.s32 $0x0, s20;
	[sflag:s22] =	ssyncset.done $0x0  }
0xa0: {  	[sflag:s22] =	ssyncadd.s32 s3;
	_ =	sdelay $0x1  }
0xa1: {  	s23 =	simm.s32 $0x1B8B  }
0xa2: {  	_ =	swait.ge [sflag:s23], $0x1  }
0xa3: {  	[sflag:s23] =	ssyncset.done $0x0  }
0xa4: {  	s25 =	simm.s32 $0x1B8E;
	s24 =	sld [smem:$0x3FFE];
	[sflag:s23] =	ssyncadd.s32 $0xFFFFFFFF  }
0xa5: {  	s26 =	simm.s32 $execute0_lowered;
	[smem:$0x3FD2] =	sst s25  }
0xa6: {  	s4 =	sshll.u32 s26, $0x1;
	_ =	strace $0x8000004F;
	[dreg:$0x1] =	wrdreg $0xFFFFFFFF  }
0xa7: {  	s28 =	simm.s32 $_size_execute0_lowered;
	s2 =	sadd.s32 s2, s4;
	[dreg:$0x0] =	wrdreg $0x0  }
0xa8: {  	s4 =	sshll.u32 s28, $0x1;
	[dreg:$0x2] =	wrdreg s2  }
0xa9: {  	[dreg:$0x3] =	wrdreg s4  }
0xaa: {  	[dreg:$0x4] =	wrdreg $0xC0  }
0xab: {  	_ =	task [dreg:s6], $0x5FFFF  }
0xac: {  	[dreg:$0x1] =	wrdreg $0xFFFFFFFF  }
0xad: {  	[dreg:$0x0] =	wrdreg $0x60  }
0xae: {  	[dreg:$0x2] =	wrdreg s24  }
0xaf: {  	[dreg:$0x3] =	wrdreg $0xA  }
0xb0: {  	_ =	task.clear_ibuf [dreg:s6], $0x4FFFF;
	_ =	strace $0x9000004F  }
0xb1: {  	s29 =	simm.s32 $0xA;
	_ =	strace $0x80000051  }
0xb2: {  	_ =	swait.ge [sflag:s29], $0x1  }
0xb3: {  	[sflag:s29] =	ssyncadd.s32 $0xFFFFFFFF  }
0xb4: {  	_ =	strace $0x90000051  }
0xb5: {  	_ =	sfence  }
0xb6: {  	s30 =	sld [smem:$0x0];
	_ =	sdelay $0x2  }
0xb7: {  	s31 =	sshll.u32 s1, $0xD;
	s1 =	sshrl.u32 s1, $0x2  }
0xb8: {  	s3 =	sand.u32 $0x4000, s31;
	s1 =	sadd.s32 s1, s30  }
0xb9: {  	s0 =	sor.u32 s3, s0;
	s1 =	sshll.u32 s1, $0x11  }
0xba: {  	s0 =	sor.u32 s1, s0  }
0xbb: {  	s0 =	sadd.s32 $0x8F2B, s0  }
0xbc: {  	[sflag:s0] =	ssyncadd.remote.s32 $0x1  }
0xbd: {  	_ =	sfence.sel $0xFFFF  }
0xbe: {  	[dreg:$0x0] =	wrdreg $0xFFFFFFFF;
	(pc) =	sbr.abs _section_cstart, $3  }
0xbf: {  	[dreg:$0x1] =	wrdreg $0xFFFFFFFF  }
0xc0: {  	_ =	task.clear_ibuf [dreg:s6], $0x2FFFF;
	_ =	strace $0x9FFFFFFF  }
0xc1: {  	(tm) =	ssettm $0x7FFFFFFF  }
tec
execute0_lowered:
.L_overlay_start_1:
0x0: {  	(tag) =	ssettag $0x1  }
0x1: {  	s0 =	srdreg.scid;
	s5 =	rddreg [dreg:$0x0]  }
0x2: {  	s1 =	stileid.u32;
	s6 =	simm.s32 $0x1;
	s9 =	simm.s32 $0x1  }
0x3: {  	s10 =	simm.s32 $0x3;
	s13 =	simm.s32 $0x0;
	s2 =	sshll.u32 s0, $0xA  }
0x4: {  	s12 =	simm.s32 $0x0;
	s3 =	sshll.u32 s1, $0xB;
	s2 =	sand.u32 $0x400, s2  }
0x5: {  	s0 =	rddreg [dreg:$0x1];
	_ =	strace $0x80000050;
	s2 =	sor.u32 s3, s2  }
0x6: {  	s4 =	sadd.s32 $0x53200, s5;
	[sflag:s6] =	ssyncpa.u1 $0x0;
	s8 =	ssub.s32 $0xA000, s2  }
.Ltmp0:
0x7: {  	s3 =	sadd.s32 $0xA8C00, s5;
	s7 =	sand.u32 $0x7C00, s8;
	(pc) =	sbr.rel .LBB2_1-.Ltmp0, $4  }
0x8: {  	s5 =	sadd.s32 $0x54600, s5;
	s11 =	smov.u32 s2;
	p0 =	sne.s32 s7, $0x0  }
0x9: {  	s8 =	sshrl.u32 s8, $0xF;
	s7 =	simm.s32 $0x2;
	s9 =	simm.s32 @!p0 $0x0  }
0xa: {  	[sflag:s7] =	ssyncpa.u1 $0x0;
	p0 =	por $0x0, $0x0;
	s8 =	sadd.s32 s9, s8  }
0xb: {  	vm0 =	vmmov $0xffff;
	[sflag:s10] =	ssyncpa.u1 $0x0;
	s10 =	simm.s32 $0x0;
	s9 =	sadd.s32 $0x1, s8  }
.LBB2_4:
0xc: {  	vm1 =	veq.s32 v1, $0x80000000;
	v5 =	vand.u32 $0x7F, v1;
	v60 =	vand.u32 $0x3FFF80, v1  }
0xd: {  	v5 =	vsel vm1, $0xFFFFFFFF, v5;
	v1 =	vsel vm1, $0xFFFFFF80, v60  }
0xe: {  	v3 =	vor.u32 v4, v3;
	v61 =	vand.u32 $0xFFFFFC00, v1;
	v6 =	vand.u32 $0xFFFFFC00, v5  }
0xf: {  	v2 =	vor.u32 v2, v3;
	v1 =	vand.u32 $0x380, v1;
	v62 =	vadd.s32 v6, v61  }
0x10: {  	v63 =	vand.u32 $0x7F, v5;
	v1 =	vor.u32 v1, v62  }
0x11: {  	v1 =	vor.u32 v63, v1  }
0x12: {  	[tilespmem:s16], [sflag:$0x1] =	stream.indirect_vreg.gather [hbm4b:s3+s10], $0x1, v0, vm0, $0x4038;
	[tilespmem:$0x1000] =	vst v63  }
0x13: {  	(ifvalue) =	ssetifvalue $0x7FFFFFFF  }
0x14: {  	[tilespmem:s15], [sflag:$0x1] =	stream.indirect_vreg.gather [hbm4b:s3+s10], $0x1, v2, vm0, $0x4038;
	[tilespmem:$0x1000] =	vst v63  }
0x15: {  	s29 =	sadd.s32 $0x10, s15;
	(ifvalue) =	ssetifvalue $0x7FFFFFFF  }
0x16: {  	[tilespmem:s29], [sflag:$0x1] =	stream.indirect_vreg.gather [hbm4b:s3+s10], $0x1, v1, vm0, $0x4038;
	[tilespmem:$0x1000] =	vst v63  }
0x17: {  	_ =	swait.ge [sflag:s6], $0x400  }
0x18: {  	s30 =	sshrl.u32 s13, $0x3;
	[sflag:s6] =	ssyncset.done $0x0  }
0x19: {  	s31 =	sand.u32 $0x7, s13;
	s15 =	sadd.s32 s5, s30;
	[sflag:s6] =	ssyncadd.s32 $0xFFFFFC00  }
0x1a: {  	[hbm4b:s15+s31] =	stream.linear.scatter [tilespmem:s14], [sflag:$0x3], $0x400, $0x38;
	[tilespmem:$0x1000] =	vst v63  }
.LBB2_5:
0x1b: {  	s15 =	sadd.s32 $0x8000, s11  }
0x1c: {  	p2 =	sgt.s32 s15, $0x9FFF  }
0x1d: {  	s15 =	smov.u32 @p2 s2;
	p2 =	sne.s32 s12, s9  }
.Ltmp1:
0x1e: {  	p1 =	slt.u32 s12, $0x2;
	(pc) =	sbr.rel @!p2 .LBB2_6-.Ltmp1, $4  }
0x1f: {  	s14 =	simm.s32 @!p1 $0x3  }
0x20: {  	s16 =	sadd.s32 $0x1, s12;
	_ =	swait.ge @!p1 [sflag:s14], $0x400  }
0x21: {  	s13 =	smov.u32 s11;
	p0 =	por !p0, !p0;
	[sflag:s14] =	ssyncset.done @!p1 $0x0  }
0x22: {  	s12 =	smov.u32 s16;
	s11 =	smov.u32 s15;
	[sflag:s14] =	ssyncadd.s32 @!p1 $0xFFFFFC00  }
.LBB2_1:
0x23: {  	p1 =	sge.u32 s12, s8  }
0x24: {  	s14 =	sxor.u32 @!p1 $0xFFFFFFFF, s12  }
0x25: {  	s31 =	sadd.s32 $0xFFFFFFFF, s12;
	s15 =	sshrl.u32 @!p1 s11, $0x3;
	s14 =	sshll.u32 @!p1 s14, $0xA  }
0x26: {  	s16 =	sand.u32 @!p1 $0x7, s11;
	s15 =	sadd.s32 @!p1 s4, s15;
	s14 =	sand.u32 @!p1 $0x400, s14  }
0x27: {  	[tilespmem:s14], [sflag:$0x2] =	stream.linear.gather @!p1 [hbm4b:s15+s16], $0x400, $0x38;
	[tilespmem:$0x1000] =	vst v63  }
0x28: {  	p1 =	sge.u32 s31, s8  }
.Ltmp2:
0x29: {  	_ = 	snop;
	(pc) =	sbr.rel @p1 .LBB2_5-.Ltmp2, $1  }
0x2a: {  	_ =	sdelay $0x3  }
0x2b: {  	s14 =	simm.s32 $0x1  }
0x2c: {  	_ =	swait.ge [sflag:s7], $0x400;
	s14 =	simm.s32 @!p0 $0x0  }
0x2d: {  	[sflag:s7] =	ssyncset.done $0x0;
	s14 =	sshll.u32 s14, $0xA  }
0x2e: {  	[sflag:s7] =	ssyncadd.s32 $0xFFFFFC00;
	(ifvalue) =	ssetifvalue $0x7FFFFFFF;
	v0 =	vld.msk [tilespmem:s14+$0x0 ss:$0x1], $0xffff;
	_ =	sdelay $0x4  }
0x2f: {  	s15 =	sadd.s32 $0x10, s14;
	vm1 =	veq.s32 v0, $0x80000000;
	v2 =	vand.u32 $0x7F, v0;
	v0 =	vand.u32 $0x3FFF80, v0  }
0x30: {  	v1 =	vld.msk [tilespmem:s15+$0x0 ss:$0x1], $0xffff;
	v2 =	vsel vm1, $0xFFFFFFFF, v2;
	v0 =	vsel vm1, $0xFFFFFF80, v0  }
0x31: {  	v3 =	vand.u32 $0xFFFFFC00, v0;
	v4 =	vand.u32 $0xFFFFFC00, v2  }
0x32: {  	v0 =	vand.u32 $0x380, v0;
	v3 =	vadd.s32 v4, v3  }
0x33: {  	v2 =	vand.u32 $0x7F, v2;
	v0 =	vor.u32 v0, v3  }
0x34: {  	v0 =	vor.u32 v2, v0  }
0x35: {  	s16 =	sshll.u32 s12, $0xA;
	vm1 =	veq.s32 v1, $0x80000000;
	v4 =	vand.u32 $0x7F, v1;
	v1 =	vand.u32 $0x3FFF80, v1  }
0x36: {  	s18 =	sand.u32 $0x400, s16;
	v3 =	vsel vm1, $0xFFFFFFFF, v4;
	v4 =	vsel vm1, $0xFFFFFF80, v1  }
0x37: {  	s16 =	sor.u32 $0x800, s14;
	s14 =	sor.u32 $0x800, s18;
	s17 =	sadd.s32 $0x10, s15;
	v5 =	vand.u32 $0xFFFFFC00, v4;
	v6 =	vand.u32 $0xFFFFFC00, v3  }
0x38: {  	s18 =	simm.s32 $0x20;
	s15 =	sadd.s32 $0x10, s16;
	v1 =	vld.msk [tilespmem:s17+$0x0 ss:$0x1], $0xffff;
	(ifvalue) =	ssetifvalue $0x7FFFFFFF;
	v2 =	vand.u32 $0x7F, v3;
	v4 =	vand.u32 $0x380, v4;
	v3 =	vadd.s32 v6, v5  }
.LBB2_3:
0x39: {  	[tilespmem:s16], [sflag:$0x1] =	stream.indirect_vreg.gather [hbm4b:s3+s10], $0x1, v0, vm0, $0x4038;
	[tilespmem:$0x1000] =	vst v63  }
0x3a: {  	s18 =	sadd.s32 $0x10, s18  }
0x3b: {  	v3 =	vor.u32 v4, v3;
	p1 =	slt.u32 s18, $0x3F0  }
.Ltmp3:
0x3c: {  	s17 =	sadd.s32 $0x10, s17;
	v0 =	vor.u32 v2, v3;
	(pc) =	sbr.rel @p1 .LBB2_3-.Ltmp3, $4  }
0x3d: {  	vm1 =	veq.s32 v1, $0x80000000;
	s16 =	smov.u32 s15;
	v2 =	vand.u32 $0x7F, v1;
	v3 =	vand.u32 $0x3FFF80, v1;
	v1 =	vld.msk [tilespmem:s17+$0x0 ss:$0x1], $0xffff  }
0x3e: {  	v4 =	vsel vm1, $0xFFFFFFFF, v2;
	v5 =	vsel vm1, $0xFFFFFF80, v3  }
0x3f: {  	v2 =	vand.u32 $0x7F, v4;
	v3 =	vand.u32 $0xFFFFFC00, v5;
	v4 =	vand.u32 $0xFFFFFC00, v4  }
0x40: {  	s15 =	sadd.s32 $0x10, s15;
	v3 =	vadd.s32 v4, v3;
	v4 =	vand.u32 $0x380, v5;
	(ifvalue) =	ssetifvalue $0x7FFFFFFF  }
.Ltmp4:
0x41: {  	_ = 	snop;
	(pc) =	sbr.rel .LBB2_4-.Ltmp4, $1  }
0x42: {  	_ =	sdelay $0x3  }
.LBB2_6:
0x43: {  	_ =	sfence.sel $0x180000  }
0x44: {  	s2 =	simm.s32 $0x2;
	[bflag:$0x0] =	sbarrier.arrive $0xFFFF  }
0x45: {  	s30 =	simm.s32 $0x3;
	[sflag:s2] =	ssyncpa.u1 $0x1  }
0x46: {  	s31 =	simm.s32 $0x1;
	[sflag:s30] =	ssyncpa.u1 $0x1  }
0x47: {  	[sflag:s31] =	ssyncpa.u1 $0x1  }
0x48: {  	p0 =	sne.s32 s1, $0x0;
	_ =	strace $0x90000050  }
0x49: {  	s0 =	sadd.s32 @!p0 $0x100000, s0;
	[bflag:$0x2] =	sbarrier.arrive $0xFFFF  }
0x4a: {  	[sflag:s0] =	ssyncadd.tile.s32 @!p0 $0x1;
	_ =	shalt  }
.Lfunc_end2:
_tile_overlayer_lowered:
.L_overlay_start_2:
0x4b: {  	(tag) =	ssettag $0x2  }
0x4c: {  	s0 =	rddreg [dreg:$0x0];
	s2 =	stileid.u32  }
0x4d: {  	s1 =	rddreg [dreg:$0x1];
	p0 =	sne.s32 s2, $0x0  }
0x4e: {  	s3 =	rddreg [dreg:$0x2];
	[bflag:$0x3] =	sbarrier.arrive $0xFFFF;
	s2 =	simm.s32 @!p0 $0x1C01  }
0x4f: {  	[timem:s3], [sflag:s2] =	dma.local @!p0 [hbm:s0], s1  }
0x50: {  	s0 =	simm.s32 @!p0 $0x1  }
0x51: {  	_ =	swait.ge @!p0 [sflag:s0], s1  }
0x52: {  	s1 =	ssub.s32 @!p0 $0x0, s1;
	[sflag:s0] =	ssyncset.done @!p0 $0x0  }
0x53: {  	[sflag:s0] =	ssyncadd.s32 @!p0 s1  }
0x54: {  	[bflag:$0x3] =	sbarrier.arrive $0xFFFF  }
0x55: {  	_ =	shalt  }

// kernel: gather_offload_async_start
scs
__scs_entry_jumppad:
0x0: {  	(pc) =	sbr.rel $0x88, $3  }
0x1: {  	(tag) =	ssettag $0x0;
	lr =	simm.s32 $0x1  }
0x2: {  	[smem:$0x3F9E] =	sst lr;
	_ =	strace $0xD0000000  }
0x3: {  	_ = 	snop  }
0x4: {  	_ = 	snop  }
0x5: {  	_ = 	snop  }
0x6: {  	_ = 	snop  }
0x7: {  	_ = 	snop  }
__scs_overlays_trampoline_lowered:
0x8: {  	[smem:$0x3FAD] =	sst s0  }
0x9: {  	[smem:$0x3FAE] =	sst s1  }
0xa: {  	[smem:$0x3FAF] =	sst s2  }
0xb: {  	[smem:$0x3FB0] =	sst s3  }
0xc: {  	[smem:$0x3FB1] =	sst s4  }
0xd: {  	[smem:$0x3FB2] =	sst s5  }
0xe: {  	[smem:$0x3FB3] =	sst s6  }
0xf: {  	[smem:$0x3FB4] =	sst s7  }
0x10: {  	[smem:$0x3FB5] =	sst s8  }
0x11: {  	[smem:$0x3FB6] =	sst s9;
	s0 =	simm.s32 @!p0 $0x0  }
0x12: {  	s1 =	sld [smem:$0x3F9C];
	s0 =	simm.s32 @p0 $0x1  }
0x13: {  	[smem:$0x3FB7] =	sst s0;
	s0 =	simm.s32 @!p1 $0x0  }
0x14: {  	s2 =	sld [smem:$0x3F9B];
	s0 =	simm.s32 @p1 $0x1  }
0x15: {  	[smem:$0x3FB8] =	sst s0;
	s0 =	simm.s32 @!p2 $0x0  }
0x16: {  	s3 =	sld [smem:$0x3FDB];
	s0 =	simm.s32 @p2 $0x1  }
0x17: {  	s4 =	simm.s32 $0x1BF5;
	[smem:$0x3FBA] =	sst s0  }
0x18: {  	s0 =	sld [smem:$0x3F9D];
	_ =	swait.ge [sflag:s4], $0x0  }
0x19: {  	s7 =	sld [smem:$0x3F9E]  }
0x1a: {  	s8 =	sadd.s32 $0xFFFFE003, lr  }
0x1b: {  	s9 =	sadd.s32 $0xFFFFFEF7, lr;
	s5 =	simm.s32 $0xFFFFFFFF;
	p2 =	slt.u32 s8, $0xFFFFF086  }
0x1c: {  	p1 =	slt.u32 s9, $0xF7A;
	s5 =	simm.s32 @!p2 $0x0  }
0x1d: {  	s5 =	simm.s32 @p1 $0x1;
	p0 =	seq.s32 s7, s2  }
0x1e: {  	s7 =	smul.u32 @!p0 $0xF7A, s2;
	p2 =	seq.s32 @!p0 s5, $0x0  }
0x1f: {  	s9 =	smul.u32 $0xF7A, s1;
	s8 =	simm.s32 @!p0 $0x1BF5;
	p2 =	por !p2, p0  }
0x20: {  	[sflag:s8] =	ssyncset.s32 @!p0 $0xFFFFF086;
	s6 =	sadd.s32 @!p0 s3, s7;
	s7 =	simm.s32 @!p0 $0x108  }
0x21: {  	s3 =	sadd.s32 s3, s9;
	s6 =	sadd.s32 @!p0 $0x88, s6;
	s7 =	simm.s32 @p2 $0x1082  }
0x22: {  	[simem:s7], [sflag:s8] =	dma.local @!p0 [hbm:s6], $0xF7A  }
0x23: {  	s9 =	sor.u32 $0xD0000000, s2;
	s6 =	simm.s32 $0x108;
	_ =	swait.ge @!p0 [sflag:s8], $0x0  }
0x24: {  	s3 =	sadd.s32 $0x88, s3;
	s6 =	simm.s32 @!p1 $0x1082;
	[sflag:s4] =	ssyncset.s32 $0xFFFFF086  }
0x25: {  	[simem:s6], [sflag:s4] =	dma.local [hbm:s3], $0xF7A  }
0x26: {  	[smem:$0x3F9E] =	sst s1;
	(tag) =	ssettag s2;
	_ =	strace s9  }
0x27: {  	s1 =	sld [smem:$0x3FAE]  }
0x28: {  	s2 =	sld [smem:$0x3FAF]  }
0x29: {  	s4 =	sld [smem:$0x3FB1]  }
0x2a: {  	p0 =	seq.s32 s5, $0x0;
	s5 =	sld [smem:$0x3FB2]  }
0x2b: {  	s6 =	sld [smem:$0x3FB3]  }
0x2c: {  	s7 =	sld [smem:$0x3FB4]  }
0x2d: {  	s3 =	simm.s32 $0x108;
	s8 =	sld [smem:$0x3FB5]  }
0x2e: {  	s3 =	simm.s32 @!p0 $0x1082;
	s9 =	sld [smem:$0x3FB6]  }
0x2f: {  	lr =	sadd.s32 s0, s3;
	s0 =	sld [smem:$0x3FAD]  }
0x30: {  	s3 =	sld [smem:$0x3FB0]  }
0x31: {  	[smem:$0x3FB9] =	sst s10  }
0x32: {  	s10 =	sld [smem:$0x3FB7];
	_ =	sdelay $0x3  }
0x33: {  	p0 =	seq.s32 s10, $0x1;
	s10 =	sld [smem:$0x3FB9];
	_ =	sdelay $0x3  }
0x34: {  	[smem:$0x3FB9] =	sst s10  }
0x35: {  	s10 =	sld [smem:$0x3FB8];
	_ =	sdelay $0x3  }
0x36: {  	p1 =	seq.s32 s10, $0x1;
	s10 =	sld [smem:$0x3FB9];
	_ =	sdelay $0x3  }
0x37: {  	[smem:$0x3FB9] =	sst s10  }
0x38: {  	s10 =	sld [smem:$0x3FBA]  }
0x39: {  	_ = 	snop;
	(pc) =	sbr.ind lr, $3  }
0x3a: {  	_ = 	snop  }
0x3b: {  	_ = 	snop  }
0x3c: {  	p2 =	seq.s32 s10, $0x1;
	s10 =	sld [smem:$0x3FB9]  }
0x3d: {  	_ =	shalt  }
0x3e: {  	_ =	shalt  }
0x3f: {  	_ =	shalt  }
0x40: {  	_ =	shalt  }
0x41: {  	_ =	shalt  }
0x42: {  	_ =	shalt  }
0x43: {  	_ =	shalt  }
0x44: {  	_ =	shalt  }
0x45: {  	_ =	shalt  }
0x46: {  	_ =	shalt  }
0x47: {  	_ =	shalt  }
0x48: {  	_ =	shalt  }
0x49: {  	_ =	shalt  }
0x4a: {  	_ =	shalt  }
0x4b: {  	_ =	shalt  }
0x4c: {  	_ =	shalt  }
0x4d: {  	_ =	shalt  }
0x4e: {  	_ =	shalt  }
0x4f: {  	_ =	shalt  }
0x50: {  	_ =	shalt  }
0x51: {  	_ =	shalt  }
0x52: {  	_ =	shalt  }
0x53: {  	_ =	shalt  }
0x54: {  	_ =	shalt  }
0x55: {  	_ =	shalt  }
0x56: {  	_ =	shalt  }
0x57: {  	_ =	shalt  }
0x58: {  	_ =	shalt  }
0x59: {  	_ =	shalt  }
0x5a: {  	_ =	shalt  }
0x5b: {  	_ =	shalt  }
0x5c: {  	_ =	shalt  }
0x5d: {  	_ =	shalt  }
0x5e: {  	_ =	shalt  }
0x5f: {  	_ =	shalt  }
0x60: {  	_ =	shalt  }
0x61: {  	_ =	shalt  }
0x62: {  	_ =	shalt  }
0x63: {  	_ =	shalt  }
0x64: {  	_ =	shalt  }
0x65: {  	_ =	shalt  }
0x66: {  	_ =	shalt  }
0x67: {  	_ =	shalt  }
0x68: {  	_ =	shalt  }
0x69: {  	_ =	shalt  }
0x6a: {  	_ =	shalt  }
0x6b: {  	_ =	shalt  }
0x6c: {  	_ =	shalt  }
0x6d: {  	_ =	shalt  }
0x6e: {  	_ =	shalt  }
0x6f: {  	_ =	shalt  }
0x70: {  	_ =	shalt  }
0x71: {  	_ =	shalt  }
0x72: {  	_ =	shalt  }
0x73: {  	_ =	shalt  }
0x74: {  	_ =	shalt  }
0x75: {  	_ =	shalt  }
0x76: {  	_ =	shalt  }
0x77: {  	_ =	shalt  }
0x78: {  	_ =	shalt  }
0x79: {  	_ =	shalt  }
0x7a: {  	_ =	shalt  }
0x7b: {  	_ =	shalt  }
0x7c: {  	_ =	shalt  }
0x7d: {  	_ =	shalt  }
0x7e: {  	_ =	shalt  }
0x7f: {  	_ =	shalt  }
0x80: {  	_ =	shalt  }
0x81: {  	_ =	shalt  }
0x82: {  	_ =	shalt  }
0x83: {  	_ =	shalt  }
0x84: {  	_ =	shalt  }
0x85: {  	_ =	shalt  }
0x86: {  	_ =	shalt  }
0x87: {  	_ =	shalt  }
.Lfunc_end0:
.L_simem_size_0:
called_computation_lowered:
.L_overlay_start_0:
0x88: {  	s2 =	sld [smem:$0x3FD9]  }
0x89: {  	s3 =	sld [smem:$0x3FFE];
	_ =	sdelay $0x1  }
0x8a: {  	s1 =	srdreg.scid  }
0x8b: {  	s0 =	sand.u32 $0x1, s1  }
0x8c: {  	s16 =	sshll.u32 s0, $0xA;
	s2 =	sadd.s32 s3, s2  }
0x8d: {  	s2 =	sadd.s32 s2, s16  }
0x8e: {  	[smem:$0x3FC5] =	sst s2  }
0x8f: {  	_ = 	snop  }
0x90: {  	(tm) =	ssettm $0x1  }
0x91: {  	s17 =	sld [smem:$0x3FFB];
	_ =	sdelay $0x3  }
0x92: {  	_ =	strace s17  }
0x93: {  	s2 =	sld [smem:$0x3FFC];
	_ =	sdelay $0x3  }
0x94: {  	_ =	strace s2  }
0x95: {  	s2 =	sld [smem:$0x3FFD];
	_ =	sdelay $0x3  }
0x96: {  	_ =	strace s2  }
0x97: {  	_ =	strace $0x8FFFFFFF  }
0x98: {  	s18 =	sld [smem:$0x3FDB];
	_ =	sdelay $0x1  }
0x99: {  	s19 =	simm.s32 $_scs_section_size  }
0x9a: {  	s4 =	simm.s32 $_size__tile_overlayer_lowered;
	s5 =	simm.s32 $_tile_overlayer_lowered  }
0x9b: {  	s22 =	simm.s32 $0x1BFF;
	s21 =	sshll.u32 s5, $0x1;
	s2 =	sadd.s32 s19, s18  }
0x9c: {  	s6 =	simm.s32 $0x0;
	s20 =	sshll.u32 s4, $0x1;
	s4 =	sadd.s32 s21, s2  }
0x9d: {  	[timem:s6], [sflag:s22] =	dma.local [hbm:s4], s20  }
0x9e: {  	_ =	swait.ge [sflag:s22], s20  }
0x9f: {  	s3 =	ssub.s32 $0x0, s20;
	[sflag:s22] =	ssyncset.done $0x0  }
0xa0: {  	[sflag:s22] =	ssyncadd.s32 s3;
	_ =	sdelay $0x1  }
0xa1: {  	s23 =	simm.s32 $0x1B8B  }
0xa2: {  	_ =	swait.ge [sflag:s23], $0x1  }
0xa3: {  	[sflag:s23] =	ssyncset.done $0x0  }
0xa4: {  	s25 =	simm.s32 $0x1B8E;
	s24 =	sld [smem:$0x3FFE];
	[sflag:s23] =	ssyncadd.s32 $0xFFFFFFFF  }
0xa5: {  	s26 =	simm.s32 $execute0_lowered;
	[smem:$0x3FD2] =	sst s25  }
0xa6: {  	s4 =	sshll.u32 s26, $0x1;
	_ =	strace $0x80000046;
	[dreg:$0x1] =	wrdreg $0xFFFFFFFF  }
0xa7: {  	s28 =	simm.s32 $_size_execute0_lowered;
	s2 =	sadd.s32 s2, s4;
	[dreg:$0x0] =	wrdreg $0x0  }
0xa8: {  	s4 =	sshll.u32 s28, $0x1;
	[dreg:$0x2] =	wrdreg s2  }
0xa9: {  	[dreg:$0x3] =	wrdreg s4  }
0xaa: {  	[dreg:$0x4] =	wrdreg $0xC0  }
0xab: {  	_ =	task [dreg:s6], $0x5FFFF  }
0xac: {  	[dreg:$0x1] =	wrdreg $0xFFFFFFFF  }
0xad: {  	[dreg:$0x0] =	wrdreg $0x60  }
0xae: {  	[dreg:$0x2] =	wrdreg s24  }
0xaf: {  	[dreg:$0x3] =	wrdreg $0x9  }
0xb0: {  	_ =	task.clear_ibuf [dreg:s6], $0x4FFFF;
	_ =	strace $0x90000046  }
0xb1: {  	s29 =	simm.s32 $0x9;
	_ =	strace $0x80000048  }
0xb2: {  	_ =	swait.ge [sflag:s29], $0x1  }
0xb3: {  	[sflag:s29] =	ssyncadd.s32 $0xFFFFFFFF  }
0xb4: {  	_ =	strace $0x90000048  }
0xb5: {  	_ =	sfence  }
0xb6: {  	s30 =	sld [smem:$0x0];
	_ =	sdelay $0x2  }
0xb7: {  	s31 =	sshll.u32 s1, $0xD;
	s1 =	sshrl.u32 s1, $0x2  }
0xb8: {  	s3 =	sand.u32 $0x4000, s31;
	s1 =	sadd.s32 s1, s30  }
0xb9: {  	s0 =	sor.u32 s3, s0;
	s1 =	sshll.u32 s1, $0x11  }
0xba: {  	s0 =	sor.u32 s1, s0  }
0xbb: {  	s0 =	sadd.s32 $0x8F2B, s0  }
0xbc: {  	[sflag:s0] =	ssyncadd.remote.s32 $0x1  }
0xbd: {  	_ =	sfence.sel $0xFFFF  }
0xbe: {  	[dreg:$0x0] =	wrdreg $0xFFFFFFFF;
	(pc) =	sbr.abs _section_cstart, $3  }
0xbf: {  	[dreg:$0x1] =	wrdreg $0xFFFFFFFF  }
0xc0: {  	_ =	task.clear_ibuf [dreg:s6], $0x2FFFF;
	_ =	strace $0x9FFFFFFF  }
0xc1: {  	(tm) =	ssettm $0x7FFFFFFF  }
tec
execute0_lowered:
.L_overlay_start_1:
0x0: {  	(tag) =	ssettag $0x1  }
0x1: {  	s0 =	srdreg.scid;
	s5 =	rddreg [dreg:$0x0]  }
0x2: {  	s1 =	stileid.u32;
	s6 =	simm.s32 $0x1;
	s9 =	simm.s32 $0x1  }
0x3: {  	s10 =	simm.s32 $0x3;
	s13 =	simm.s32 $0x0;
	s2 =	sshll.u32 s0, $0xA  }
0x4: {  	s12 =	simm.s32 $0x0;
	s3 =	sshll.u32 s1, $0xB;
	s2 =	sand.u32 $0x400, s2  }
0x5: {  	s0 =	rddreg [dreg:$0x1];
	_ =	strace $0x80000047;
	s2 =	sor.u32 s3, s2  }
0x6: {  	s4 =	sadd.s32 $0x53200, s5;
	[sflag:s6] =	ssyncpa.u1 $0x0;
	s8 =	ssub.s32 $0xA000, s2  }
.Ltmp0:
0x7: {  	s3 =	sadd.s32 $0x54600, s5;
	s7 =	sand.u32 $0x7C00, s8;
	(pc) =	sbr.rel .LBB2_1-.Ltmp0, $4  }
0x8: {  	s5 =	sadd.s32 $0xF6E00, s5;
	s11 =	smov.u32 s2;
	p0 =	sne.s32 s7, $0x0  }
0x9: {  	s8 =	sshrl.u32 s8, $0xF;
	s7 =	simm.s32 $0x2;
	s9 =	simm.s32 @!p0 $0x0  }
0xa: {  	[sflag:s7] =	ssyncpa.u1 $0x0;
	p0 =	por $0x0, $0x0;
	s8 =	sadd.s32 s9, s8  }
0xb: {  	vm0 =	vmmov $0xffff;
	[sflag:s10] =	ssyncpa.u1 $0x0;
	s10 =	simm.s32 $0x0;
	s9 =	sadd.s32 $0x1, s8  }
.LBB2_4:
0xc: {  	vm1 =	veq.s32 v0, $0x80000000;
	v63 =	vand.u32 $0x7F, v0;
	v2 =	vand.u32 $0x7FF, v2  }
0xd: {  	v0 =	vsel vm1, $0xFFFFFFFF, v63;
	v2 =	vsel vm1, $0xFFFFFFFF, v2  }
0xe: {  	v3 =	vshll.u32 v0, $0xB;
	v4 =	vshll.u32 v2, $0x3  }
0xf: {  	v0 =	vshll.u32 v0, $0x7;
	v3 =	vand.u32 $0xFFFFC000, v3;
	v4 =	vand.u32 $0xFFFFFC00, v4  }
0x10: {  	v0 =	vand.u32 $0x380, v0;
	v3 =	vadd.s32 v3, v4  }
0x11: {  	v2 =	vand.u32 $0x7F, v2;
	v0 =	vor.u32 v0, v3  }
0x12: {  	v0 =	vor.u32 v2, v0;
	_ =	sdelay $0x1  }
0x13: {  	(ifvalue) =	ssetifvalue $0x7FFFFFFF;
	s14 =	sadd.s32 $0x10, s14  }
0x14: {  	[tilespmem:s14], [sflag:$0x1] =	stream.indirect_vreg.gather [hbm4b:s3+s10], $0x1, v1, vm0, $0x4038;
	[tilespmem:$0x1000] =	vst v63  }
0x15: {  	(ifvalue) =	ssetifvalue $0x7FFFFFFF;
	s14 =	sadd.s32 $0x10, s14  }
0x16: {  	[tilespmem:s14], [sflag:$0x1] =	stream.indirect_vreg.gather [hbm4b:s3+s10], $0x1, v0, vm0, $0x4038;
	[tilespmem:$0x1000] =	vst v63  }
0x17: {  	_ =	swait.ge [sflag:s6], $0x400  }
0x18: {  	s30 =	sshrl.u32 s13, $0x3;
	[sflag:s6] =	ssyncset.done $0x0  }
0x19: {  	s31 =	sand.u32 $0x7, s13;
	s14 =	sadd.s32 s5, s30;
	[sflag:s6] =	ssyncadd.s32 $0xFFFFFC00  }
0x1a: {  	[hbm4b:s14+s31] =	stream.linear.scatter [tilespmem:s15], [sflag:$0x3], $0x400, $0x38;
	[tilespmem:$0x1000] =	vst v63  }
.LBB2_5:
0x1b: {  	s15 =	sadd.s32 $0x8000, s11  }
0x1c: {  	p2 =	sgt.s32 s15, $0x9FFF  }
0x1d: {  	s15 =	smov.u32 @p2 s2;
	p2 =	sne.s32 s12, s9  }
.Ltmp1:
0x1e: {  	p1 =	slt.u32 s12, $0x2;
	(pc) =	sbr.rel @!p2 .LBB2_6-.Ltmp1, $4  }
0x1f: {  	s14 =	simm.s32 @!p1 $0x3  }
0x20: {  	s16 =	sadd.s32 $0x1, s12;
	_ =	swait.ge @!p1 [sflag:s14], $0x400  }
0x21: {  	s13 =	smov.u32 s11;
	p0 =	por !p0, !p0;
	[sflag:s14] =	ssyncset.done @!p1 $0x0  }
0x22: {  	s12 =	smov.u32 s16;
	s11 =	smov.u32 s15;
	[sflag:s14] =	ssyncadd.s32 @!p1 $0xFFFFFC00  }
.LBB2_1:
0x23: {  	p1 =	sge.u32 s12, s8  }
0x24: {  	s14 =	sxor.u32 @!p1 $0xFFFFFFFF, s12  }
0x25: {  	s31 =	sadd.s32 $0xFFFFFFFF, s12;
	s15 =	sshrl.u32 @!p1 s11, $0x3;
	s14 =	sshll.u32 @!p1 s14, $0xA  }
0x26: {  	s16 =	sand.u32 @!p1 $0x7, s11;
	s15 =	sadd.s32 @!p1 s4, s15;
	s14 =	sand.u32 @!p1 $0x400, s14  }
0x27: {  	[tilespmem:s14], [sflag:$0x2] =	stream.linear.gather @!p1 [hbm4b:s15+s16], $0x400, $0x38;
	[tilespmem:$0x1000] =	vst v63  }
0x28: {  	p1 =	sge.u32 s31, s8  }
.Ltmp2:
0x29: {  	_ = 	snop;
	(pc) =	sbr.rel @p1 .LBB2_5-.Ltmp2, $1  }
0x2a: {  	_ =	sdelay $0x3  }
0x2b: {  	s14 =	simm.s32 $0x1  }
0x2c: {  	_ =	swait.ge [sflag:s7], $0x400;
	s14 =	simm.s32 @!p0 $0x0  }
0x2d: {  	[sflag:s7] =	ssyncset.done $0x0;
	s14 =	sshll.u32 s14, $0xA  }
0x2e: {  	[sflag:s7] =	ssyncadd.s32 $0xFFFFFC00;
	(ifvalue) =	ssetifvalue $0x7FFFFFFF;
	v0 =	vld.msk [tilespmem:s14+$0x0 ss:$0x1], $0xffff;
	_ =	sdelay $0x3  }
0x2f: {  	s15 =	sadd.s32 $0x10, s14  }
0x30: {  	v2 =	vld.msk [tilespmem:s15+$0x0 ss:$0x1], $0xffff;
	v1 =	vshrl.u32 v0, $0x7  }
0x31: {  	vm1 =	veq.s32 v0, $0x80000000;
	v0 =	vand.u32 $0x7F, v0;
	v1 =	vand.u32 $0x7FF, v1  }
0x32: {  	v0 =	vsel vm1, $0xFFFFFFFF, v0;
	v1 =	vsel vm1, $0xFFFFFFFF, v1  }
0x33: {  	v3 =	vshll.u32 v0, $0xB;
	v4 =	vshll.u32 v1, $0x3  }
0x34: {  	v0 =	vshll.u32 v0, $0x7;
	v3 =	vand.u32 $0xFFFFC000, v3;
	v4 =	vand.u32 $0xFFFFFC00, v4  }
0x35: {  	vm1 =	veq.s32 v2, $0x80000000;
	v0 =	vand.u32 $0x380, v0;
	v3 =	vadd.s32 v3, v4  }
0x36: {  	v1 =	vand.u32 $0x7F, v1;
	v0 =	vor.u32 v0, v3;
	v3 =	vshrl.u32 v2, $0x7  }
0x37: {  	s17 =	sadd.s32 $0x10, s15;
	v2 =	vand.u32 $0x7F, v2;
	v1 =	vor.u32 v1, v0;
	v3 =	vand.u32 $0x7FF, v3  }
0x38: {  	v0 =	vld.msk [tilespmem:s17+$0x0 ss:$0x1], $0xffff;
	v2 =	vsel vm1, $0xFFFFFFFF, v2;
	v3 =	vsel vm1, $0xFFFFFFFF, v3  }
0x39: {  	v63 =	vshll.u32 v2, $0xB;
	v5 =	vshll.u32 v3, $0x3  }
0x3a: {  	s31 =	sshll.u32 s12, $0xA;
	v2 =	vshll.u32 v2, $0x7;
	v4 =	vand.u32 $0xFFFFC000, v63;
	v5 =	vand.u32 $0xFFFFFC00, v5  }
0x3b: {  	s14 =	sor.u32 $0x800, s14;
	s15 =	sand.u32 $0x400, s31;
	(ifvalue) =	ssetifvalue $0x7FFFFFFF;
	v2 =	vand.u32 $0x380, v2;
	v4 =	vadd.s32 v4, v5  }
0x3c: {  	[tilespmem:s14], [sflag:$0x1] =	stream.indirect_vreg.gather [hbm4b:s3+s10], $0x1, v1, vm0, $0x4038;
	v1 =	vand.u32 $0x7F, v3;
	v3 =	vor.u32 v2, v4;
	[tilespmem:$0x1000] =	vst v63  }
0x3d: {  	s16 =	simm.s32 $0x20;
	s15 =	sor.u32 $0x800, s15;
	s17 =	sadd.s32 $0x10, s17;
	v2 =	vshrl.u32 v0, $0x7;
	v1 =	vor.u32 v1, v3  }
.LBB2_3:
0x3e: {  	s16 =	sadd.s32 $0x10, s16;
	vm1 =	veq.s32 v0, $0x80000000;
	v3 =	vand.u32 $0x7F, v0;
	v0 =	vld.msk [tilespmem:s17+$0x0 ss:$0x1], $0xffff;
	v2 =	vand.u32 $0x7FF, v2  }
0x3f: {  	p1 =	slt.u32 s16, $0x3F0;
	v3 =	vsel vm1, $0xFFFFFFFF, v3;
	v2 =	vsel vm1, $0xFFFFFFFF, v2  }
.Ltmp3:
0x40: {  	v4 =	vshll.u32 v3, $0xB;
	v5 =	vshll.u32 v2, $0x3;
	(pc) =	sbr.rel @p1 .LBB2_3-.Ltmp3, $4  }
0x41: {  	s14 =	sadd.s32 $0x10, s14;
	v3 =	vshll.u32 v3, $0x7;
	v4 =	vand.u32 $0xFFFFC000, v4;
	v5 =	vand.u32 $0xFFFFFC00, v5;
	(ifvalue) =	ssetifvalue $0x7FFFFFFF  }
0x42: {  	v3 =	vand.u32 $0x380, v3;
	v4 =	vadd.s32 v4, v5;
	[tilespmem:s14], [sflag:$0x1] =	stream.indirect_vreg.gather [hbm4b:s3+s10], $0x1, v1, vm0, $0x4038;
	[tilespmem:$0x1000] =	vst v63  }
0x43: {  	v1 =	vand.u32 $0x7F, v2;
	v3 =	vor.u32 v3, v4  }
0x44: {  	s17 =	sadd.s32 $0x10, s17;
	v2 =	vshrl.u32 v0, $0x7;
	v1 =	vor.u32 v1, v3  }
.Ltmp4:
0x45: {  	_ = 	snop;
	(pc) =	sbr.rel .LBB2_4-.Ltmp4, $1  }
0x46: {  	_ =	sdelay $0x3  }
.LBB2_6:
0x47: {  	_ =	sfence.sel $0x180000  }
0x48: {  	s2 =	simm.s32 $0x2;
	[bflag:$0x0] =	sbarrier.arrive $0xFFFF  }
0x49: {  	s30 =	simm.s32 $0x3;
	[sflag:s2] =	ssyncpa.u1 $0x1  }
0x4a: {  	s31 =	simm.s32 $0x1;
	[sflag:s30] =	ssyncpa.u1 $0x1  }
0x4b: {  	[sflag:s31] =	ssyncpa.u1 $0x1  }
0x4c: {  	p0 =	sne.s32 s1, $0x0;
	_ =	strace $0x90000047  }
0x4d: {  	s0 =	sadd.s32 @!p0 $0x100000, s0;
	[bflag:$0x2] =	sbarrier.arrive $0xFFFF  }
0x4e: {  	[sflag:s0] =	ssyncadd.tile.s32 @!p0 $0x1;
	_ =	shalt  }
.Lfunc_end2:
_tile_overlayer_lowered:
.L_overlay_start_2:
0x4f: {  	(tag) =	ssettag $0x2  }
0x50: {  	s0 =	rddreg [dreg:$0x0];
	s2 =	stileid.u32  }
0x51: {  	s1 =	rddreg [dreg:$0x1];
	p0 =	sne.s32 s2, $0x0  }
0x52: {  	s3 =	rddreg [dreg:$0x2];
	[bflag:$0x3] =	sbarrier.arrive $0xFFFF;
	s2 =	simm.s32 @!p0 $0x1C01  }
0x53: {  	[timem:s3], [sflag:s2] =	dma.local @!p0 [hbm:s0], s1  }
0x54: {  	s0 =	simm.s32 @!p0 $0x1  }
0x55: {  	_ =	swait.ge @!p0 [sflag:s0], s1  }
0x56: {  	s1 =	ssub.s32 @!p0 $0x0, s1;
	[sflag:s0] =	ssyncset.done @!p0 $0x0  }
0x57: {  	[sflag:s0] =	ssyncadd.s32 @!p0 s1  }
0x58: {  	[bflag:$0x3] =	sbarrier.arrive $0xFFFF  }
0x59: {  	_ =	shalt  }

</sc_bundles>
